<compile_context>
chip_gen: v7x
topology: tpu7x:2x2x1
jax: 0.10.2.dev20260603
libtpu: 0.0.44.dev20260713+nightly
codegen_flags: <defaults>
</compile_context>

<pallas_src>
import functools

import jax
import jax.numpy as jnp
from jax import lax
from jax.experimental import pallas as pl
from jax.experimental.pallas import tpu as pltpu
from jax.experimental.pallas import tpu_sc as plsc

_NUM_WORKERS = 32
_NBUF = 3


def _plan(num_rows):
    assert num_rows % 8 == 0, num_rows
    granules = num_rows // 8
    lo = granules // _NUM_WORKERS
    nbig = granules - lo * _NUM_WORKERS
    small = lo * 8
    big = small + 8
    chunk = 8
    for c in range(min(small, 304), 0, -8):
        if small % c == 0:
            chunk = c
            break
    return big, small, nbig, chunk, small // chunk


@functools.lru_cache(maxsize=None)
def _make(num_rows, num_types, dim):
    big, small, nbig, chunk, nchunks = _plan(num_rows)
    mesh = plsc.VectorSubcoreMesh(core_axis_name="c", subcore_axis_name="s")
    tab_shards = 1
    for s in range(16, 0, -1):
        if num_types % s == 0 and (num_types // s) % 8 == 0:
            tab_shards = s
            break
    tab_rows = num_types // tab_shards

    @functools.partial(
        pl.kernel,
        mesh=mesh,
        out_type=jax.ShapeDtypeStruct((num_rows, dim), jnp.float32),
        scratch_types=(
            [pltpu.VMEM_SHARED((num_types, dim), jnp.float32),
             pltpu.VMEM((big,), jnp.int32)]
            + [pltpu.VMEM((chunk, dim), jnp.float32) for _ in range(_NBUF)]
            + [pltpu.VMEM((8, dim), jnp.float32)]
            + [pltpu.SemaphoreType.DMA for _ in range(2 * _NBUF + 1)]
        ),
    )
    def gather_kernel(idx_hbm, table_hbm, out_hbm, table_sh, idx_v, *rest):
        rows = rest[:_NBUF]
        rows_t = rest[_NBUF]
        gsems = rest[_NBUF + 1:2 * _NBUF + 1]
        ssems = rest[2 * _NBUF + 1:3 * _NBUF + 1]
        tsem = rest[3 * _NBUF + 1]
        cid = lax.axis_index("c")
        sid = lax.axis_index("s")
        wid = sid * 2 + cid
        is_big = wid < nbig
        base = jnp.where(is_big, wid * big,
                         nbig * big + (wid - nbig) * small)
        base = pl.multiple_of(base, 8)

        if nbig:
            @pl.when(is_big)
            def _():
                pltpu.sync_copy(idx_hbm.at[pl.ds(base, big)], idx_v)

            @pl.when(jnp.logical_not(is_big))
            def _():
                pltpu.sync_copy(idx_hbm.at[pl.ds(base, small)],
                                idx_v.at[pl.ds(0, small)])
        else:
            pltpu.sync_copy(idx_hbm.at[pl.ds(base, small)],
                            idx_v.at[pl.ds(0, small)])

        @pl.when(sid < tab_shards)
        def _():
            shard = sid * tab_rows
            pltpu.sync_copy(table_hbm.at[pl.ds(shard, tab_rows), :],
                            table_sh.at[pl.ds(shard, tab_rows), :])
        plsc.subcore_barrier()

        def gather(j, b):
            return pltpu.async_copy(
                table_sh.at[idx_v.at[pl.ds(j * chunk, chunk)]],
                rows[b], gsems[b])

        if nbig:
            @pl.when(is_big)
            def _():
                pltpu.async_copy(
                    table_sh.at[idx_v.at[pl.ds(nchunks * chunk, 8)]],
                    rows_t, tsem)

        gathers = [None] * _NBUF
        scatters = [None] * _NBUF
        gathers[0] = gather(0, 0)
        if nchunks > 1:
            gathers[1] = gather(1, 1)
        for j in range(nchunks):
            b = j % _NBUF
            gathers[j % _NBUF].wait()
            nxt = j + 2
            if nxt < nchunks:
                nb = nxt % _NBUF
                if scatters[nb] is not None:
                    scatters[nb].wait()
                gathers[nb] = gather(nxt, nb)
            start = pl.multiple_of(base + j * chunk, 8)
            scatters[b] = pltpu.async_copy(
                rows[b], out_hbm.at[pl.ds(start, chunk), :], ssems[b])

        if nbig:
            @pl.when(is_big)
            def _tail():
                pltpu.make_async_copy(out_hbm.at[pl.ds(0, 8), :], rows_t,
                                      tsem).wait()
                start = pl.multiple_of(base + nchunks * chunk, 8)
                pltpu.async_copy(rows_t, out_hbm.at[pl.ds(start, 8), :],
                                 tsem)

        for s in scatters:
            if s is not None:
                s.wait()

        if nbig:
            @pl.when(is_big)
            def _():
                pltpu.make_async_copy(rows_t, out_hbm.at[pl.ds(0, 8), :],
                                      tsem).wait()

    return gather_kernel


def kernel(node_types, type_embedding):
    (num_rows,) = node_types.shape
    num_types, dim = type_embedding.shape
    idx = node_types.astype(jnp.int32)
    table = type_embedding.astype(jnp.float32)
    return _make(num_rows, num_types, dim)(idx, table)

# --- scband reference (transcript-rebuilt; emitter-appended) ---
"""Pipeline reference for scband-type-encoding-45844480917700 (READ-ONLY COPY).

The authoritative reference and input builder live on the scoring server;
editing this copy changes nothing except your own understanding.
"""

import jax, jax.numpy as jnp
import numpy as np

NUM_TYPES = 1000
DIM = 128
TOTAL_NODES = 100000

def setup_inputs(seed: int = 0) -> dict:
    key = jax.random.key(seed)
    k_idx, k_tab = jax.random.split(key)
    node_types = jax.random.randint(k_idx, (TOTAL_NODES,), 0, NUM_TYPES, dtype=jnp.int64 if jax.config.jax_enable_x64 else jnp.int32)
    type_embedding = jax.random.normal(k_tab, (NUM_TYPES, DIM), dtype=jnp.float32)
    return {"node_types": node_types, "type_embedding": type_embedding}

def reference(node_types, type_embedding):
    # nn.Embedding forward: table row gather
    return jnp.take(type_embedding, node_types, axis=0)

if __name__ == "__main__":
    import jax
    _d = setup_inputs()
    print(jax.jit(kernel)(*tuple(_d.values())))

</pallas_src>

<mosaic_0001>
#map = affine_map<(d0, d1) -> (0)>
#map1 = affine_map<(d0, d1) -> (0, 0)>
module attributes {stable_mosaic.version = 14 : i64} {
  func.func @gather_kernel(%arg0: i32, %arg1: i32, %arg2: memref<100000xi32, #tpu.memory_space<hbm>>, %arg3: memref<1000x128xf32, #tpu.memory_space<hbm>>, %arg4: memref<100000x128xf32, #tpu.memory_space<hbm>>, %arg5: memref<1000x128xf32, #tpu.memory_space<vmem_shared>>, %arg6: memref<3128xi32, #tpu.memory_space<vmem>>, %arg7: memref<240x128xf32, #tpu.memory_space<vmem>>, %arg8: memref<240x128xf32, #tpu.memory_space<vmem>>, %arg9: memref<240x128xf32, #tpu.memory_space<vmem>>, %arg10: memref<8x128xf32, #tpu.memory_space<vmem>>, %arg11: memref<!tpu.dma_semaphore, #tpu.memory_space<semaphore_mem>>, %arg12: memref<!tpu.dma_semaphore, #tpu.memory_space<semaphore_mem>>, %arg13: memref<!tpu.dma_semaphore, #tpu.memory_space<semaphore_mem>>, %arg14: memref<!tpu.dma_semaphore, #tpu.memory_space<semaphore_mem>>, %arg15: memref<!tpu.dma_semaphore, #tpu.memory_space<semaphore_mem>>, %arg16: memref<!tpu.dma_semaphore, #tpu.memory_space<semaphore_mem>>, %arg17: memref<!tpu.dma_semaphore, #tpu.memory_space<semaphore_mem>>) attributes {dimension_semantics = [#tpu.dimension_semantics<core_parallel>, #tpu.dimension_semantics<subcore_parallel>], iteration_bounds = array<i64: 2, 16>, scalar_prefetch = 0 : i64, scratch_operands = 13 : i64, tpu.core_type = #tpu.core_type<sc_vector_subcore>, window_params = [{transform_indices = #map}, {transform_indices = #map1}, {transform_indices = #map1}]} {
    %mul3A = arith.constant 2 : i32
    %mul3A_0 = arith.muli %arg1, %mul3A : i32
    %add3A = arith.addi %mul3A_0, %arg0 : i32
    %lt3A = arith.constant 20 : i32
    %lt3A_1 = arith.cmpi slt, %add3A, %lt3A : i32
    %mul3A_2 = arith.constant 3128 : i32
    %mul3A_3 = arith.muli %add3A, %mul3A_2 : i32
    %sub3A = arith.constant 20 : i32
    %sub3A_4 = arith.subi %add3A, %sub3A : i32
    %mul3A_5 = arith.constant 3120 : i32
    %mul3A_6 = arith.muli %sub3A_4, %mul3A_5 : i32
    %add3A_7 = arith.constant 62560 : i32
    %add3A_8 = arith.addi %add3A_7, %mul3A_6 : i32
    %select_n3A = arith.select %lt3A_1, %mul3A_3, %add3A_8 : i32
    %multiple_of3A = tpu.assume_multiple %select_n3A, 8 : i32
    %convert_element_type3A = arith.extui %lt3A_1 : i1 to i32
    %cond3A = arith.constant 0 : i32
    %cond3A_9 = arith.cmpi ne, %convert_element_type3A, %cond3A : i32
    scf.if %cond3A_9 {
      "tpu.region"() ({
        %run_scoped3A = tpu.sem_alloc : memref<!tpu.dma_semaphore, #tpu.memory_space<semaphore_mem>>
        %dma_start3A_299 = tpu.memref_slice %arg2[%multiple_of3A] : memref<100000xi32, #tpu.memory_space<hbm>> -> memref<3128xi32, #tpu.memory_space<hbm>>
        %dma_start3A_300 = tpu.memref_slice %arg2[%multiple_of3A] : memref<100000xi32, #tpu.memory_space<hbm>> -> memref<3128xi32, #tpu.memory_space<hbm>>
        tpu.enqueue_dma source(%dma_start3A_300 : memref<3128xi32, #tpu.memory_space<hbm>>) target(%arg6 : memref<3128xi32, #tpu.memory_space<vmem>>) target_semaphore(%run_scoped3A : memref<!tpu.dma_semaphore, #tpu.memory_space<semaphore_mem>>)
        %dma_wait3A_301 = tpu.memref_slice %arg2[%multiple_of3A] : memref<100000xi32, #tpu.memory_space<hbm>> -> memref<3128xi32, #tpu.memory_space<hbm>>
        %dma_wait3A_302 = tpu.memref_slice %arg2[%multiple_of3A] : memref<100000xi32, #tpu.memory_space<hbm>> -> memref<3128xi32, #tpu.memory_space<hbm>>
        tpu.wait_dma2 semaphore(%run_scoped3A : memref<!tpu.dma_semaphore, #tpu.memory_space<semaphore_mem>>) src(%dma_wait3A_302 : memref<3128xi32, #tpu.memory_space<hbm>>) dst(%arg6 : memref<3128xi32, #tpu.memory_space<vmem>>)
        tpu.yield
      }) : () -> ()
    } else {
    }
    %not3A = arith.constant true
    %not3A_10 = arith.xori %lt3A_1, %not3A : i1
    %convert_element_type3A_11 = arith.extui %not3A_10 : i1 to i32
    %cond3A_12 = arith.constant 0 : i32
    %cond3A_13 = arith.cmpi ne, %convert_element_type3A_11, %cond3A_12 : i32
    scf.if %cond3A_13 {
      "tpu.region"() ({
        %run_scoped3A = tpu.sem_alloc : memref<!tpu.dma_semaphore, #tpu.memory_space<semaphore_mem>>
        %dma_start3A_299 = arith.constant 0 : i32
        %dma_start3A_300 = tpu.memref_slice %arg6[%dma_start3A_299] : memref<3128xi32, #tpu.memory_space<vmem>> -> memref<3120xi32, #tpu.memory_space<vmem>>
        %dma_start3A_301 = tpu.memref_slice %arg2[%multiple_of3A] : memref<100000xi32, #tpu.memory_space<hbm>> -> memref<3120xi32, #tpu.memory_space<hbm>>
        %dma_start3A_302 = arith.constant 0 : i32
        %dma_start3A_303 = tpu.memref_slice %arg6[%dma_start3A_302] : memref<3128xi32, #tpu.memory_space<vmem>> -> memref<3120xi32, #tpu.memory_space<vmem>>
        %dma_start3A_304 = tpu.memref_slice %arg2[%multiple_of3A] : memref<100000xi32, #tpu.memory_space<hbm>> -> memref<3120xi32, #tpu.memory_space<hbm>>
        tpu.enqueue_dma source(%dma_start3A_304 : memref<3120xi32, #tpu.memory_space<hbm>>) target(%dma_start3A_303 : memref<3120xi32, #tpu.memory_space<vmem>>) target_semaphore(%run_scoped3A : memref<!tpu.dma_semaphore, #tpu.memory_space<semaphore_mem>>)
        %dma_wait3A_305 = arith.constant 0 : i32
        %dma_wait3A_306 = tpu.memref_slice %arg6[%dma_wait3A_305] : memref<3128xi32, #tpu.memory_space<vmem>> -> memref<3120xi32, #tpu.memory_space<vmem>>
        %dma_wait3A_307 = tpu.memref_slice %arg2[%multiple_of3A] : memref<100000xi32, #tpu.memory_space<hbm>> -> memref<3120xi32, #tpu.memory_space<hbm>>
        %dma_wait3A_308 = arith.constant 0 : i32
        %dma_wait3A_309 = tpu.memref_slice %arg6[%dma_wait3A_308] : memref<3128xi32, #tpu.memory_space<vmem>> -> memref<3120xi32, #tpu.memory_space<vmem>>
        %dma_wait3A_310 = tpu.memref_slice %arg2[%multiple_of3A] : memref<100000xi32, #tpu.memory_space<hbm>> -> memref<3120xi32, #tpu.memory_space<hbm>>
        tpu.wait_dma2 semaphore(%run_scoped3A : memref<!tpu.dma_semaphore, #tpu.memory_space<semaphore_mem>>) src(%dma_wait3A_310 : memref<3120xi32, #tpu.memory_space<hbm>>) dst(%dma_wait3A_309 : memref<3120xi32, #tpu.memory_space<vmem>>)
        tpu.yield
      }) : () -> ()
    } else {
    }
    %lt3A_14 = arith.constant 5 : i32
    %lt3A_15 = arith.cmpi slt, %arg1, %lt3A_14 : i32
    %convert_element_type3A_16 = arith.extui %lt3A_15 : i1 to i32
    %cond3A_17 = arith.constant 0 : i32
    %cond3A_18 = arith.cmpi ne, %convert_element_type3A_16, %cond3A_17 : i32
    scf.if %cond3A_18 {
      %mul3A_299 = arith.constant 200 : i32
      %mul3A_300 = arith.muli %arg1, %mul3A_299 : i32
      "tpu.region"() ({
        %run_scoped3A = tpu.sem_alloc : memref<!tpu.dma_semaphore, #tpu.memory_space<semaphore_mem>>
        %dma_start3A_301 = arith.constant 0 : i32
        %dma_start3A_302 = tpu.memref_slice %arg5[%mul3A_300, %dma_start3A_301] : memref<1000x128xf32, #tpu.memory_space<vmem_shared>> -> memref<200x128xf32, #tpu.memory_space<vmem_shared>>
        %dma_start3A_303 = arith.constant 0 : i32
        %dma_start3A_304 = tpu.memref_slice %arg3[%mul3A_300, %dma_start3A_303] : memref<1000x128xf32, #tpu.memory_space<hbm>> -> memref<200x128xf32, #tpu.memory_space<hbm>>
        tpu.enqueue_dma source(%dma_start3A_304 : memref<200x128xf32, #tpu.memory_space<hbm>>) target(%dma_start3A_302 : memref<200x128xf32, #tpu.memory_space<vmem_shared>>) target_semaphore(%run_scoped3A : memref<!tpu.dma_semaphore, #tpu.memory_space<semaphore_mem>>)
        %dma_wait3A_305 = arith.constant 0 : i32
        %dma_wait3A_306 = tpu.memref_slice %arg5[%mul3A_300, %dma_wait3A_305] : memref<1000x128xf32, #tpu.memory_space<vmem_shared>> -> memref<200x128xf32, #tpu.memory_space<vmem_shared>>
        %dma_wait3A_307 = arith.constant 0 : i32
        %dma_wait3A_308 = tpu.memref_slice %arg3[%mul3A_300, %dma_wait3A_307] : memref<1000x128xf32, #tpu.memory_space<hbm>> -> memref<200x128xf32, #tpu.memory_space<hbm>>
        tpu.wait_dma2 semaphore(%run_scoped3A : memref<!tpu.dma_semaphore, #tpu.memory_space<semaphore_mem>>) src(%dma_wait3A_308 : memref<200x128xf32, #tpu.memory_space<hbm>>) dst(%dma_wait3A_306 : memref<200x128xf32, #tpu.memory_space<vmem_shared>>)
        tpu.yield
      }) : () -> ()
    } else {
    }
    %barrier3A = arith.constant 0 : index
    tpu.barrier barrier_id(%barrier3A)
    %convert_element_type3A_19 = arith.extui %lt3A_1 : i1 to i32
    %cond3A_20 = arith.constant 0 : i32
    %cond3A_21 = arith.cmpi ne, %convert_element_type3A_19, %cond3A_20 : i32
    scf.if %cond3A_21 {
      %dma_start3A_299 = arith.constant 3120 : i32
      %dma_start3A_300 = tpu.memref_slice %arg6[%dma_start3A_299] : memref<3128xi32, #tpu.memory_space<vmem>> -> memref<8xi32, #tpu.memory_space<vmem>>
      %dma_start3A_301 = arith.constant 0 : i32
      %dma_start3A_302 = arith.constant 0 : i32
      %dma_start3A_303 = tpu.memref_slice %arg5[%dma_start3A_301, %dma_start3A_302] : memref<1000x128xf32, #tpu.memory_space<vmem_shared>> -> memref<1000x128xf32, #tpu.memory_space<vmem_shared>>
      tpu.enqueue_indirect_dma source(%dma_start3A_303 : memref<1000x128xf32, #tpu.memory_space<vmem_shared>>) target(%arg10 : memref<8x128xf32, #tpu.memory_space<vmem>>) offsets(%dma_start3A_300 : memref<8xi32, #tpu.memory_space<vmem>>) semaphore(%arg17 : memref<!tpu.dma_semaphore, #tpu.memory_space<semaphore_mem>>)
    } else {
    }
    %dma_start3A = arith.constant 0 : i32
    %dma_start3A_22 = tpu.memref_slice %arg6[%dma_start3A] : memref<3128xi32, #tpu.memory_space<vmem>> -> memref<240xi32, #tpu.memory_space<vmem>>
    %dma_start3A_23 = arith.constant 0 : i32
    %dma_start3A_24 = arith.constant 0 : i32
    %dma_start3A_25 = tpu.memref_slice %arg5[%dma_start3A_23, %dma_start3A_24] : memref<1000x128xf32, #tpu.memory_space<vmem_shared>> -> memref<1000x128xf32, #tpu.memory_space<vmem_shared>>
    tpu.enqueue_indirect_dma source(%dma_start3A_25 : memref<1000x128xf32, #tpu.memory_space<vmem_shared>>) target(%arg7 : memref<240x128xf32, #tpu.memory_space<vmem>>) offsets(%dma_start3A_22 : memref<240xi32, #tpu.memory_space<vmem>>) semaphore(%arg11 : memref<!tpu.dma_semaphore, #tpu.memory_space<semaphore_mem>>)
    %dma_start3A_26 = arith.constant 240 : i32
    %dma_start3A_27 = tpu.memref_slice %arg6[%dma_start3A_26] : memref<3128xi32, #tpu.memory_space<vmem>> -> memref<240xi32, #tpu.memory_space<vmem>>
    %dma_start3A_28 = arith.constant 0 : i32
    %dma_start3A_29 = arith.constant 0 : i32
    %dma_start3A_30 = tpu.memref_slice %arg5[%dma_start3A_28, %dma_start3A_29] : memref<1000x128xf32, #tpu.memory_space<vmem_shared>> -> memref<1000x128xf32, #tpu.memory_space<vmem_shared>>
    tpu.enqueue_indirect_dma source(%dma_start3A_30 : memref<1000x128xf32, #tpu.memory_space<vmem_shared>>) target(%arg8 : memref<240x128xf32, #tpu.memory_space<vmem>>) offsets(%dma_start3A_27 : memref<240xi32, #tpu.memory_space<vmem>>) semaphore(%arg12 : memref<!tpu.dma_semaphore, #tpu.memory_space<semaphore_mem>>)
    %dma_wait3A = arith.constant 0 : i32
    %dma_wait3A_31 = tpu.memref_slice %arg6[%dma_wait3A] : memref<3128xi32, #tpu.memory_space<vmem>> -> memref<240xi32, #tpu.memory_space<vmem>>
    %dma_wait3A_32 = arith.constant 0 : i32
    %dma_wait3A_33 = arith.constant 0 : i32
    %dma_wait3A_34 = tpu.memref_slice %arg5[%dma_wait3A_32, %dma_wait3A_33] : memref<1000x128xf32, #tpu.memory_space<vmem_shared>> -> memref<1000x128xf32, #tpu.memory_space<vmem_shared>>
    tpu.wait_indirect_dma semaphore(%arg11 : memref<!tpu.dma_semaphore, #tpu.memory_space<semaphore_mem>>) src(%dma_wait3A_34 : memref<1000x128xf32, #tpu.memory_space<vmem_shared>>) dst(%arg7 : memref<240x128xf32, #tpu.memory_space<vmem>>)
    %dma_start3A_35 = arith.constant 480 : i32
    %dma_start3A_36 = tpu.memref_slice %arg6[%dma_start3A_35] : memref<3128xi32, #tpu.memory_space<vmem>> -> memref<240xi32, #tpu.memory_space<vmem>>
    %dma_start3A_37 = arith.constant 0 : i32
    %dma_start3A_38 = arith.constant 0 : i32
    %dma_start3A_39 = tpu.memref_slice %arg5[%dma_start3A_37, %dma_start3A_38] : memref<1000x128xf32, #tpu.memory_space<vmem_shared>> -> memref<1000x128xf32, #tpu.memory_space<vmem_shared>>
    tpu.enqueue_indirect_dma source(%dma_start3A_39 : memref<1000x128xf32, #tpu.memory_space<vmem_shared>>) target(%arg9 : memref<240x128xf32, #tpu.memory_space<vmem>>) offsets(%dma_start3A_36 : memref<240xi32, #tpu.memory_space<vmem>>) semaphore(%arg13 : memref<!tpu.dma_semaphore, #tpu.memory_space<semaphore_mem>>)
    %add3A_40 = arith.constant 0 : i32
    %add3A_41 = arith.addi %multiple_of3A, %add3A_40 : i32
    %multiple_of3A_42 = tpu.assume_multiple %add3A_41, 8 : i32
    %dma_start3A_43 = arith.constant 0 : i32
    %dma_start3A_44 = tpu.memref_slice %arg4[%multiple_of3A_42, %dma_start3A_43] : memref<100000x128xf32, #tpu.memory_space<hbm>> -> memref<240x128xf32, #tpu.memory_space<hbm>>
    %dma_start3A_45 = arith.constant 0 : i32
    %dma_start3A_46 = tpu.memref_slice %arg4[%multiple_of3A_42, %dma_start3A_45] : memref<100000x128xf32, #tpu.memory_space<hbm>> -> memref<240x128xf32, #tpu.memory_space<hbm>>
    tpu.enqueue_dma source(%arg7 : memref<240x128xf32, #tpu.memory_space<vmem>>) target(%dma_start3A_46 : memref<240x128xf32, #tpu.memory_space<hbm>>) target_semaphore(%arg14 : memref<!tpu.dma_semaphore, #tpu.memory_space<semaphore_mem>>)
    %dma_wait3A_47 = arith.constant 240 : i32
    %dma_wait3A_48 = tpu.memref_slice %arg6[%dma_wait3A_47] : memref<3128xi32, #tpu.memory_space<vmem>> -> memref<240xi32, #tpu.memory_space<vmem>>
    %dma_wait3A_49 = arith.constant 0 : i32
    %dma_wait3A_50 = arith.constant 0 : i32
    %dma_wait3A_51 = tpu.memref_slice %arg5[%dma_wait3A_49, %dma_wait3A_50] : memref<1000x128xf32, #tpu.memory_space<vmem_shared>> -> memref<1000x128xf32, #tpu.memory_space<vmem_shared>>
    tpu.wait_indirect_dma semaphore(%arg12 : memref<!tpu.dma_semaphore, #tpu.memory_space<semaphore_mem>>) src(%dma_wait3A_51 : memref<1000x128xf32, #tpu.memory_space<vmem_shared>>) dst(%arg8 : memref<240x128xf32, #tpu.memory_space<vmem>>)
    %dma_wait3A_52 = arith.constant 0 : i32
    %dma_wait3A_53 = tpu.memref_slice %arg4[%multiple_of3A_42, %dma_wait3A_52] : memref<100000x128xf32, #tpu.memory_space<hbm>> -> memref<240x128xf32, #tpu.memory_space<hbm>>
    %dma_wait3A_54 = arith.constant 0 : i32
    %dma_wait3A_55 = tpu.memref_slice %arg4[%multiple_of3A_42, %dma_wait3A_54] : memref<100000x128xf32, #tpu.memory_space<hbm>> -> memref<240x128xf32, #tpu.memory_space<hbm>>
    tpu.wait_dma2 semaphore(%arg14 : memref<!tpu.dma_semaphore, #tpu.memory_space<semaphore_mem>>) src(%arg7 : memref<240x128xf32, #tpu.memory_space<vmem>>) dst(%dma_wait3A_55 : memref<240x128xf32, #tpu.memory_space<hbm>>)
    %dma_start3A_56 = arith.constant 720 : i32
    %dma_start3A_57 = tpu.memref_slice %arg6[%dma_start3A_56] : memref<3128xi32, #tpu.memory_space<vmem>> -> memref<240xi32, #tpu.memory_space<vmem>>
    %dma_start3A_58 = arith.constant 0 : i32
    %dma_start3A_59 = arith.constant 0 : i32
    %dma_start3A_60 = tpu.memref_slice %arg5[%dma_start3A_58, %dma_start3A_59] : memref<1000x128xf32, #tpu.memory_space<vmem_shared>> -> memref<1000x128xf32, #tpu.memory_space<vmem_shared>>
    tpu.enqueue_indirect_dma source(%dma_start3A_60 : memref<1000x128xf32, #tpu.memory_space<vmem_shared>>) target(%arg7 : memref<240x128xf32, #tpu.memory_space<vmem>>) offsets(%dma_start3A_57 : memref<240xi32, #tpu.memory_space<vmem>>) semaphore(%arg11 : memref<!tpu.dma_semaphore, #tpu.memory_space<semaphore_mem>>)
    %add3A_61 = arith.constant 240 : i32
    %add3A_62 = arith.addi %multiple_of3A, %add3A_61 : i32
    %multiple_of3A_63 = tpu.assume_multiple %add3A_62, 8 : i32
    %dma_start3A_64 = arith.constant 0 : i32
    %dma_start3A_65 = tpu.memref_slice %arg4[%multiple_of3A_63, %dma_start3A_64] : memref<100000x128xf32, #tpu.memory_space<hbm>> -> memref<240x128xf32, #tpu.memory_space<hbm>>
    %dma_start3A_66 = arith.constant 0 : i32
    %dma_start3A_67 = tpu.memref_slice %arg4[%multiple_of3A_63, %dma_start3A_66] : memref<100000x128xf32, #tpu.memory_space<hbm>> -> memref<240x128xf32, #tpu.memory_space<hbm>>
    tpu.enqueue_dma source(%arg8 : memref<240x128xf32, #tpu.memory_space<vmem>>) target(%dma_start3A_67 : memref<240x128xf32, #tpu.memory_space<hbm>>) target_semaphore(%arg15 : memref<!tpu.dma_semaphore, #tpu.memory_space<semaphore_mem>>)
    %dma_wait3A_68 = arith.constant 480 : i32
    %dma_wait3A_69 = tpu.memref_slice %arg6[%dma_wait3A_68] : memref<3128xi32, #tpu.memory_space<vmem>> -> memref<240xi32, #tpu.memory_space<vmem>>
    %dma_wait3A_70 = arith.constant 0 : i32
    %dma_wait3A_71 = arith.constant 0 : i32
    %dma_wait3A_72 = tpu.memref_slice %arg5[%dma_wait3A_70, %dma_wait3A_71] : memref<1000x128xf32, #tpu.memory_space<vmem_shared>> -> memref<1000x128xf32, #tpu.memory_space<vmem_shared>>
    tpu.wait_indirect_dma semaphore(%arg13 : memref<!tpu.dma_semaphore, #tpu.memory_space<semaphore_mem>>) src(%dma_wait3A_72 : memref<1000x128xf32, #tpu.memory_space<vmem_shared>>) dst(%arg9 : memref<240x128xf32, #tpu.memory_space<vmem>>)
    %dma_wait3A_73 = arith.constant 0 : i32
    %dma_wait3A_74 = tpu.memref_slice %arg4[%multiple_of3A_63, %dma_wait3A_73] : memref<100000x128xf32, #tpu.memory_space<hbm>> -> memref<240x128xf32, #tpu.memory_space<hbm>>
    %dma_wait3A_75 = arith.constant 0 : i32
    %dma_wait3A_76 = tpu.memref_slice %arg4[%multiple_of3A_63, %dma_wait3A_75] : memref<100000x128xf32, #tpu.memory_space<hbm>> -> memref<240x128xf32, #tpu.memory_space<hbm>>
    tpu.wait_dma2 semaphore(%arg15 : memref<!tpu.dma_semaphore, #tpu.memory_space<semaphore_mem>>) src(%arg8 : memref<240x128xf32, #tpu.memory_space<vmem>>) dst(%dma_wait3A_76 : memref<240x128xf32, #tpu.memory_space<hbm>>)
    %dma_start3A_77 = arith.constant 960 : i32
    %dma_start3A_78 = tpu.memref_slice %arg6[%dma_start3A_77] : memref<3128xi32, #tpu.memory_space<vmem>> -> memref<240xi32, #tpu.memory_space<vmem>>
    %dma_start3A_79 = arith.constant 0 : i32
    %dma_start3A_80 = arith.constant 0 : i32
    %dma_start3A_81 = tpu.memref_slice %arg5[%dma_start3A_79, %dma_start3A_80] : memref<1000x128xf32, #tpu.memory_space<vmem_shared>> -> memref<1000x128xf32, #tpu.memory_space<vmem_shared>>
    tpu.enqueue_indirect_dma source(%dma_start3A_81 : memref<1000x128xf32, #tpu.memory_space<vmem_shared>>) target(%arg8 : memref<240x128xf32, #tpu.memory_space<vmem>>) offsets(%dma_start3A_78 : memref<240xi32, #tpu.memory_space<vmem>>) semaphore(%arg12 : memref<!tpu.dma_semaphore, #tpu.memory_space<semaphore_mem>>)
    %add3A_82 = arith.constant 480 : i32
    %add3A_83 = arith.addi %multiple_of3A, %add3A_82 : i32
    %multiple_of3A_84 = tpu.assume_multiple %add3A_83, 8 : i32
    %dma_start3A_85 = arith.constant 0 : i32
    %dma_start3A_86 = tpu.memref_slice %arg4[%multiple_of3A_84, %dma_start3A_85] : memref<100000x128xf32, #tpu.memory_space<hbm>> -> memref<240x128xf32, #tpu.memory_space<hbm>>
    %dma_start3A_87 = arith.constant 0 : i32
    %dma_start3A_88 = tpu.memref_slice %arg4[%multiple_of3A_84, %dma_start3A_87] : memref<100000x128xf32, #tpu.memory_space<hbm>> -> memref<240x128xf32, #tpu.memory_space<hbm>>
    tpu.enqueue_dma source(%arg9 : memref<240x128xf32, #tpu.memory_space<vmem>>) target(%dma_start3A_88 : memref<240x128xf32, #tpu.memory_space<hbm>>) target_semaphore(%arg16 : memref<!tpu.dma_semaphore, #tpu.memory_space<semaphore_mem>>)
    %dma_wait3A_89 = arith.constant 720 : i32
    %dma_wait3A_90 = tpu.memref_slice %arg6[%dma_wait3A_89] : memref<3128xi32, #tpu.memory_space<vmem>> -> memref<240xi32, #tpu.memory_space<vmem>>
    %dma_wait3A_91 = arith.constant 0 : i32
    %dma_wait3A_92 = arith.constant 0 : i32
    %dma_wait3A_93 = tpu.memref_slice %arg5[%dma_wait3A_91, %dma_wait3A_92] : memref<1000x128xf32, #tpu.memory_space<vmem_shared>> -> memref<1000x128xf32, #tpu.memory_space<vmem_shared>>
    tpu.wait_indirect_dma semaphore(%arg11 : memref<!tpu.dma_semaphore, #tpu.memory_space<semaphore_mem>>) src(%dma_wait3A_93 : memref<1000x128xf32, #tpu.memory_space<vmem_shared>>) dst(%arg7 : memref<240x128xf32, #tpu.memory_space<vmem>>)
    %dma_wait3A_94 = arith.constant 0 : i32
    %dma_wait3A_95 = tpu.memref_slice %arg4[%multiple_of3A_84, %dma_wait3A_94] : memref<100000x128xf32, #tpu.memory_space<hbm>> -> memref<240x128xf32, #tpu.memory_space<hbm>>
    %dma_wait3A_96 = arith.constant 0 : i32
    %dma_wait3A_97 = tpu.memref_slice %arg4[%multiple_of3A_84, %dma_wait3A_96] : memref<100000x128xf32, #tpu.memory_space<hbm>> -> memref<240x128xf32, #tpu.memory_space<hbm>>
    tpu.wait_dma2 semaphore(%arg16 : memref<!tpu.dma_semaphore, #tpu.memory_space<semaphore_mem>>) src(%arg9 : memref<240x128xf32, #tpu.memory_space<vmem>>) dst(%dma_wait3A_97 : memref<240x128xf32, #tpu.memory_space<hbm>>)
    %dma_start3A_98 = arith.constant 1200 : i32
    %dma_start3A_99 = tpu.memref_slice %arg6[%dma_start3A_98] : memref<3128xi32, #tpu.memory_space<vmem>> -> memref<240xi32, #tpu.memory_space<vmem>>
    %dma_start3A_100 = arith.constant 0 : i32
    %dma_start3A_101 = arith.constant 0 : i32
    %dma_start3A_102 = tpu.memref_slice %arg5[%dma_start3A_100, %dma_start3A_101] : memref<1000x128xf32, #tpu.memory_space<vmem_shared>> -> memref<1000x128xf32, #tpu.memory_space<vmem_shared>>
    tpu.enqueue_indirect_dma source(%dma_start3A_102 : memref<1000x128xf32, #tpu.memory_space<vmem_shared>>) target(%arg9 : memref<240x128xf32, #tpu.memory_space<vmem>>) offsets(%dma_start3A_99 : memref<240xi32, #tpu.memory_space<vmem>>) semaphore(%arg13 : memref<!tpu.dma_semaphore, #tpu.memory_space<semaphore_mem>>)
    %add3A_103 = arith.constant 720 : i32
    %add3A_104 = arith.addi %multiple_of3A, %add3A_103 : i32
    %multiple_of3A_105 = tpu.assume_multiple %add3A_104, 8 : i32
    %dma_start3A_106 = arith.constant 0 : i32
    %dma_start3A_107 = tpu.memref_slice %arg4[%multiple_of3A_105, %dma_start3A_106] : memref<100000x128xf32, #tpu.memory_space<hbm>> -> memref<240x128xf32, #tpu.memory_space<hbm>>
    %dma_start3A_108 = arith.constant 0 : i32
    %dma_start3A_109 = tpu.memref_slice %arg4[%multiple_of3A_105, %dma_start3A_108] : memref<100000x128xf32, #tpu.memory_space<hbm>> -> memref<240x128xf32, #tpu.memory_space<hbm>>
    tpu.enqueue_dma source(%arg7 : memref<240x128xf32, #tpu.memory_space<vmem>>) target(%dma_start3A_109 : memref<240x128xf32, #tpu.memory_space<hbm>>) target_semaphore(%arg14 : memref<!tpu.dma_semaphore, #tpu.memory_space<semaphore_mem>>)
    %dma_wait3A_110 = arith.constant 960 : i32
    %dma_wait3A_111 = tpu.memref_slice %arg6[%dma_wait3A_110] : memref<3128xi32, #tpu.memory_space<vmem>> -> memref<240xi32, #tpu.memory_space<vmem>>
    %dma_wait3A_112 = arith.constant 0 : i32
    %dma_wait3A_113 = arith.constant 0 : i32
    %dma_wait3A_114 = tpu.memref_slice %arg5[%dma_wait3A_112, %dma_wait3A_113] : memref<1000x128xf32, #tpu.memory_space<vmem_shared>> -> memref<1000x128xf32, #tpu.memory_space<vmem_shared>>
    tpu.wait_indirect_dma semaphore(%arg12 : memref<!tpu.dma_semaphore, #tpu.memory_space<semaphore_mem>>) src(%dma_wait3A_114 : memref<1000x128xf32, #tpu.memory_space<vmem_shared>>) dst(%arg8 : memref<240x128xf32, #tpu.memory_space<vmem>>)
    %dma_wait3A_115 = arith.constant 0 : i32
    %dma_wait3A_116 = tpu.memref_slice %arg4[%multiple_of3A_105, %dma_wait3A_115] : memref<100000x128xf32, #tpu.memory_space<hbm>> -> memref<240x128xf32, #tpu.memory_space<hbm>>
    %dma_wait3A_117 = arith.constant 0 : i32
    %dma_wait3A_118 = tpu.memref_slice %arg4[%multiple_of3A_105, %dma_wait3A_117] : memref<100000x128xf32, #tpu.memory_space<hbm>> -> memref<240x128xf32, #tpu.memory_space<hbm>>
    tpu.wait_dma2 semaphore(%arg14 : memref<!tpu.dma_semaphore, #tpu.memory_space<semaphore_mem>>) src(%arg7 : memref<240x128xf32, #tpu.memory_space<vmem>>) dst(%dma_wait3A_118 : memref<240x128xf32, #tpu.memory_space<hbm>>)
    %dma_start3A_119 = arith.constant 1440 : i32
    %dma_start3A_120 = tpu.memref_slice %arg6[%dma_start3A_119] : memref<3128xi32, #tpu.memory_space<vmem>> -> memref<240xi32, #tpu.memory_space<vmem>>
    %dma_start3A_121 = arith.constant 0 : i32
    %dma_start3A_122 = arith.constant 0 : i32
    %dma_start3A_123 = tpu.memref_slice %arg5[%dma_start3A_121, %dma_start3A_122] : memref<1000x128xf32, #tpu.memory_space<vmem_shared>> -> memref<1000x128xf32, #tpu.memory_space<vmem_shared>>
    tpu.enqueue_indirect_dma source(%dma_start3A_123 : memref<1000x128xf32, #tpu.memory_space<vmem_shared>>) target(%arg7 : memref<240x128xf32, #tpu.memory_space<vmem>>) offsets(%dma_start3A_120 : memref<240xi32, #tpu.memory_space<vmem>>) semaphore(%arg11 : memref<!tpu.dma_semaphore, #tpu.memory_space<semaphore_mem>>)
    %add3A_124 = arith.constant 960 : i32
    %add3A_125 = arith.addi %multiple_of3A, %add3A_124 : i32
    %multiple_of3A_126 = tpu.assume_multiple %add3A_125, 8 : i32
    %dma_start3A_127 = arith.constant 0 : i32
    %dma_start3A_128 = tpu.memref_slice %arg4[%multiple_of3A_126, %dma_start3A_127] : memref<100000x128xf32, #tpu.memory_space<hbm>> -> memref<240x128xf32, #tpu.memory_space<hbm>>
    %dma_start3A_129 = arith.constant 0 : i32
    %dma_start3A_130 = tpu.memref_slice %arg4[%multiple_of3A_126, %dma_start3A_129] : memref<100000x128xf32, #tpu.memory_space<hbm>> -> memref<240x128xf32, #tpu.memory_space<hbm>>
    tpu.enqueue_dma source(%arg8 : memref<240x128xf32, #tpu.memory_space<vmem>>) target(%dma_start3A_130 : memref<240x128xf32, #tpu.memory_space<hbm>>) target_semaphore(%arg15 : memref<!tpu.dma_semaphore, #tpu.memory_space<semaphore_mem>>)
    %dma_wait3A_131 = arith.constant 1200 : i32
    %dma_wait3A_132 = tpu.memref_slice %arg6[%dma_wait3A_131] : memref<3128xi32, #tpu.memory_space<vmem>> -> memref<240xi32, #tpu.memory_space<vmem>>
    %dma_wait3A_133 = arith.constant 0 : i32
    %dma_wait3A_134 = arith.constant 0 : i32
    %dma_wait3A_135 = tpu.memref_slice %arg5[%dma_wait3A_133, %dma_wait3A_134] : memref<1000x128xf32, #tpu.memory_space<vmem_shared>> -> memref<1000x128xf32, #tpu.memory_space<vmem_shared>>
    tpu.wait_indirect_dma semaphore(%arg13 : memref<!tpu.dma_semaphore, #tpu.memory_space<semaphore_mem>>) src(%dma_wait3A_135 : memref<1000x128xf32, #tpu.memory_space<vmem_shared>>) dst(%arg9 : memref<240x128xf32, #tpu.memory_space<vmem>>)
    %dma_wait3A_136 = arith.constant 0 : i32
    %dma_wait3A_137 = tpu.memref_slice %arg4[%multiple_of3A_126, %dma_wait3A_136] : memref<100000x128xf32, #tpu.memory_space<hbm>> -> memref<240x128xf32, #tpu.memory_space<hbm>>
    %dma_wait3A_138 = arith.constant 0 : i32
    %dma_wait3A_139 = tpu.memref_slice %arg4[%multiple_of3A_126, %dma_wait3A_138] : memref<100000x128xf32, #tpu.memory_space<hbm>> -> memref<240x128xf32, #tpu.memory_space<hbm>>
    tpu.wait_dma2 semaphore(%arg15 : memref<!tpu.dma_semaphore, #tpu.memory_space<semaphore_mem>>) src(%arg8 : memref<240x128xf32, #tpu.memory_space<vmem>>) dst(%dma_wait3A_139 : memref<240x128xf32, #tpu.memory_space<hbm>>)
    %dma_start3A_140 = arith.constant 1680 : i32
    %dma_start3A_141 = tpu.memref_slice %arg6[%dma_start3A_140] : memref<3128xi32, #tpu.memory_space<vmem>> -> memref<240xi32, #tpu.memory_space<vmem>>
    %dma_start3A_142 = arith.constant 0 : i32
    %dma_start3A_143 = arith.constant 0 : i32
    %dma_start3A_144 = tpu.memref_slice %arg5[%dma_start3A_142, %dma_start3A_143] : memref<1000x128xf32, #tpu.memory_space<vmem_shared>> -> memref<1000x128xf32, #tpu.memory_space<vmem_shared>>
    tpu.enqueue_indirect_dma source(%dma_start3A_144 : memref<1000x128xf32, #tpu.memory_space<vmem_shared>>) target(%arg8 : memref<240x128xf32, #tpu.memory_space<vmem>>) offsets(%dma_start3A_141 : memref<240xi32, #tpu.memory_space<vmem>>) semaphore(%arg12 : memref<!tpu.dma_semaphore, #tpu.memory_space<semaphore_mem>>)
    %add3A_145 = arith.constant 1200 : i32
    %add3A_146 = arith.addi %multiple_of3A, %add3A_145 : i32
    %multiple_of3A_147 = tpu.assume_multiple %add3A_146, 8 : i32
    %dma_start3A_148 = arith.constant 0 : i32
    %dma_start3A_149 = tpu.memref_slice %arg4[%multiple_of3A_147, %dma_start3A_148] : memref<100000x128xf32, #tpu.memory_space<hbm>> -> memref<240x128xf32, #tpu.memory_space<hbm>>
    %dma_start3A_150 = arith.constant 0 : i32
    %dma_start3A_151 = tpu.memref_slice %arg4[%multiple_of3A_147, %dma_start3A_150] : memref<100000x128xf32, #tpu.memory_space<hbm>> -> memref<240x128xf32, #tpu.memory_space<hbm>>
    tpu.enqueue_dma source(%arg9 : memref<240x128xf32, #tpu.memory_space<vmem>>) target(%dma_start3A_151 : memref<240x128xf32, #tpu.memory_space<hbm>>) target_semaphore(%arg16 : memref<!tpu.dma_semaphore, #tpu.memory_space<semaphore_mem>>)
    %dma_wait3A_152 = arith.constant 1440 : i32
    %dma_wait3A_153 = tpu.memref_slice %arg6[%dma_wait3A_152] : memref<3128xi32, #tpu.memory_space<vmem>> -> memref<240xi32, #tpu.memory_space<vmem>>
    %dma_wait3A_154 = arith.constant 0 : i32
    %dma_wait3A_155 = arith.constant 0 : i32
    %dma_wait3A_156 = tpu.memref_slice %arg5[%dma_wait3A_154, %dma_wait3A_155] : memref<1000x128xf32, #tpu.memory_space<vmem_shared>> -> memref<1000x128xf32, #tpu.memory_space<vmem_shared>>
    tpu.wait_indirect_dma semaphore(%arg11 : memref<!tpu.dma_semaphore, #tpu.memory_space<semaphore_mem>>) src(%dma_wait3A_156 : memref<1000x128xf32, #tpu.memory_space<vmem_shared>>) dst(%arg7 : memref<240x128xf32, #tpu.memory_space<vmem>>)
    %dma_wait3A_157 = arith.constant 0 : i32
    %dma_wait3A_158 = tpu.memref_slice %arg4[%multiple_of3A_147, %dma_wait3A_157] : memref<100000x128xf32, #tpu.memory_space<hbm>> -> memref<240x128xf32, #tpu.memory_space<hbm>>
    %dma_wait3A_159 = arith.constant 0 : i32
    %dma_wait3A_160 = tpu.memref_slice %arg4[%multiple_of3A_147, %dma_wait3A_159] : memref<100000x128xf32, #tpu.memory_space<hbm>> -> memref<240x128xf32, #tpu.memory_space<hbm>>
    tpu.wait_dma2 semaphore(%arg16 : memref<!tpu.dma_semaphore, #tpu.memory_space<semaphore_mem>>) src(%arg9 : memref<240x128xf32, #tpu.memory_space<vmem>>) dst(%dma_wait3A_160 : memref<240x128xf32, #tpu.memory_space<hbm>>)
    %dma_start3A_161 = arith.constant 1920 : i32
    %dma_start3A_162 = tpu.memref_slice %arg6[%dma_start3A_161] : memref<3128xi32, #tpu.memory_space<vmem>> -> memref<240xi32, #tpu.memory_space<vmem>>
    %dma_start3A_163 = arith.constant 0 : i32
    %dma_start3A_164 = arith.constant 0 : i32
    %dma_start3A_165 = tpu.memref_slice %arg5[%dma_start3A_163, %dma_start3A_164] : memref<1000x128xf32, #tpu.memory_space<vmem_shared>> -> memref<1000x128xf32, #tpu.memory_space<vmem_shared>>
    tpu.enqueue_indirect_dma source(%dma_start3A_165 : memref<1000x128xf32, #tpu.memory_space<vmem_shared>>) target(%arg9 : memref<240x128xf32, #tpu.memory_space<vmem>>) offsets(%dma_start3A_162 : memref<240xi32, #tpu.memory_space<vmem>>) semaphore(%arg13 : memref<!tpu.dma_semaphore, #tpu.memory_space<semaphore_mem>>)
    %add3A_166 = arith.constant 1440 : i32
    %add3A_167 = arith.addi %multiple_of3A, %add3A_166 : i32
    %multiple_of3A_168 = tpu.assume_multiple %add3A_167, 8 : i32
    %dma_start3A_169 = arith.constant 0 : i32
    %dma_start3A_170 = tpu.memref_slice %arg4[%multiple_of3A_168, %dma_start3A_169] : memref<100000x128xf32, #tpu.memory_space<hbm>> -> memref<240x128xf32, #tpu.memory_space<hbm>>
    %dma_start3A_171 = arith.constant 0 : i32
    %dma_start3A_172 = tpu.memref_slice %arg4[%multiple_of3A_168, %dma_start3A_171] : memref<100000x128xf32, #tpu.memory_space<hbm>> -> memref<240x128xf32, #tpu.memory_space<hbm>>
    tpu.enqueue_dma source(%arg7 : memref<240x128xf32, #tpu.memory_space<vmem>>) target(%dma_start3A_172 : memref<240x128xf32, #tpu.memory_space<hbm>>) target_semaphore(%arg14 : memref<!tpu.dma_semaphore, #tpu.memory_space<semaphore_mem>>)
    %dma_wait3A_173 = arith.constant 1680 : i32
    %dma_wait3A_174 = tpu.memref_slice %arg6[%dma_wait3A_173] : memref<3128xi32, #tpu.memory_space<vmem>> -> memref<240xi32, #tpu.memory_space<vmem>>
    %dma_wait3A_175 = arith.constant 0 : i32
    %dma_wait3A_176 = arith.constant 0 : i32
    %dma_wait3A_177 = tpu.memref_slice %arg5[%dma_wait3A_175, %dma_wait3A_176] : memref<1000x128xf32, #tpu.memory_space<vmem_shared>> -> memref<1000x128xf32, #tpu.memory_space<vmem_shared>>
    tpu.wait_indirect_dma semaphore(%arg12 : memref<!tpu.dma_semaphore, #tpu.memory_space<semaphore_mem>>) src(%dma_wait3A_177 : memref<1000x128xf32, #tpu.memory_space<vmem_shared>>) dst(%arg8 : memref<240x128xf32, #tpu.memory_space<vmem>>)
    %dma_wait3A_178 = arith.constant 0 : i32
    %dma_wait3A_179 = tpu.memref_slice %arg4[%multiple_of3A_168, %dma_wait3A_178] : memref<100000x128xf32, #tpu.memory_space<hbm>> -> memref<240x128xf32, #tpu.memory_space<hbm>>
    %dma_wait3A_180 = arith.constant 0 : i32
    %dma_wait3A_181 = tpu.memref_slice %arg4[%multiple_of3A_168, %dma_wait3A_180] : memref<100000x128xf32, #tpu.memory_space<hbm>> -> memref<240x128xf32, #tpu.memory_space<hbm>>
    tpu.wait_dma2 semaphore(%arg14 : memref<!tpu.dma_semaphore, #tpu.memory_space<semaphore_mem>>) src(%arg7 : memref<240x128xf32, #tpu.memory_space<vmem>>) dst(%dma_wait3A_181 : memref<240x128xf32, #tpu.memory_space<hbm>>)
    %dma_start3A_182 = arith.constant 2160 : i32
    %dma_start3A_183 = tpu.memref_slice %arg6[%dma_start3A_182] : memref<3128xi32, #tpu.memory_space<vmem>> -> memref<240xi32, #tpu.memory_space<vmem>>
    %dma_start3A_184 = arith.constant 0 : i32
    %dma_start3A_185 = arith.constant 0 : i32
    %dma_start3A_186 = tpu.memref_slice %arg5[%dma_start3A_184, %dma_start3A_185] : memref<1000x128xf32, #tpu.memory_space<vmem_shared>> -> memref<1000x128xf32, #tpu.memory_space<vmem_shared>>
    tpu.enqueue_indirect_dma source(%dma_start3A_186 : memref<1000x128xf32, #tpu.memory_space<vmem_shared>>) target(%arg7 : memref<240x128xf32, #tpu.memory_space<vmem>>) offsets(%dma_start3A_183 : memref<240xi32, #tpu.memory_space<vmem>>) semaphore(%arg11 : memref<!tpu.dma_semaphore, #tpu.memory_space<semaphore_mem>>)
    %add3A_187 = arith.constant 1680 : i32
    %add3A_188 = arith.addi %multiple_of3A, %add3A_187 : i32
    %multiple_of3A_189 = tpu.assume_multiple %add3A_188, 8 : i32
    %dma_start3A_190 = arith.constant 0 : i32
    %dma_start3A_191 = tpu.memref_slice %arg4[%multiple_of3A_189, %dma_start3A_190] : memref<100000x128xf32, #tpu.memory_space<hbm>> -> memref<240x128xf32, #tpu.memory_space<hbm>>
    %dma_start3A_192 = arith.constant 0 : i32
    %dma_start3A_193 = tpu.memref_slice %arg4[%multiple_of3A_189, %dma_start3A_192] : memref<100000x128xf32, #tpu.memory_space<hbm>> -> memref<240x128xf32, #tpu.memory_space<hbm>>
    tpu.enqueue_dma source(%arg8 : memref<240x128xf32, #tpu.memory_space<vmem>>) target(%dma_start3A_193 : memref<240x128xf32, #tpu.memory_space<hbm>>) target_semaphore(%arg15 : memref<!tpu.dma_semaphore, #tpu.memory_space<semaphore_mem>>)
    %dma_wait3A_194 = arith.constant 1920 : i32
    %dma_wait3A_195 = tpu.memref_slice %arg6[%dma_wait3A_194] : memref<3128xi32, #tpu.memory_space<vmem>> -> memref<240xi32, #tpu.memory_space<vmem>>
    %dma_wait3A_196 = arith.constant 0 : i32
    %dma_wait3A_197 = arith.constant 0 : i32
    %dma_wait3A_198 = tpu.memref_slice %arg5[%dma_wait3A_196, %dma_wait3A_197] : memref<1000x128xf32, #tpu.memory_space<vmem_shared>> -> memref<1000x128xf32, #tpu.memory_space<vmem_shared>>
    tpu.wait_indirect_dma semaphore(%arg13 : memref<!tpu.dma_semaphore, #tpu.memory_space<semaphore_mem>>) src(%dma_wait3A_198 : memref<1000x128xf32, #tpu.memory_space<vmem_shared>>) dst(%arg9 : memref<240x128xf32, #tpu.memory_space<vmem>>)
    %dma_wait3A_199 = arith.constant 0 : i32
    %dma_wait3A_200 = tpu.memref_slice %arg4[%multiple_of3A_189, %dma_wait3A_199] : memref<100000x128xf32, #tpu.memory_space<hbm>> -> memref<240x128xf32, #tpu.memory_space<hbm>>
    %dma_wait3A_201 = arith.constant 0 : i32
    %dma_wait3A_202 = tpu.memref_slice %arg4[%multiple_of3A_189, %dma_wait3A_201] : memref<100000x128xf32, #tpu.memory_space<hbm>> -> memref<240x128xf32, #tpu.memory_space<hbm>>
    tpu.wait_dma2 semaphore(%arg15 : memref<!tpu.dma_semaphore, #tpu.memory_space<semaphore_mem>>) src(%arg8 : memref<240x128xf32, #tpu.memory_space<vmem>>) dst(%dma_wait3A_202 : memref<240x128xf32, #tpu.memory_space<hbm>>)
    %dma_start3A_203 = arith.constant 2400 : i32
    %dma_start3A_204 = tpu.memref_slice %arg6[%dma_start3A_203] : memref<3128xi32, #tpu.memory_space<vmem>> -> memref<240xi32, #tpu.memory_space<vmem>>
    %dma_start3A_205 = arith.constant 0 : i32
    %dma_start3A_206 = arith.constant 0 : i32
    %dma_start3A_207 = tpu.memref_slice %arg5[%dma_start3A_205, %dma_start3A_206] : memref<1000x128xf32, #tpu.memory_space<vmem_shared>> -> memref<1000x128xf32, #tpu.memory_space<vmem_shared>>
    tpu.enqueue_indirect_dma source(%dma_start3A_207 : memref<1000x128xf32, #tpu.memory_space<vmem_shared>>) target(%arg8 : memref<240x128xf32, #tpu.memory_space<vmem>>) offsets(%dma_start3A_204 : memref<240xi32, #tpu.memory_space<vmem>>) semaphore(%arg12 : memref<!tpu.dma_semaphore, #tpu.memory_space<semaphore_mem>>)
    %add3A_208 = arith.constant 1920 : i32
    %add3A_209 = arith.addi %multiple_of3A, %add3A_208 : i32
    %multiple_of3A_210 = tpu.assume_multiple %add3A_209, 8 : i32
    %dma_start3A_211 = arith.constant 0 : i32
    %dma_start3A_212 = tpu.memref_slice %arg4[%multiple_of3A_210, %dma_start3A_211] : memref<100000x128xf32, #tpu.memory_space<hbm>> -> memref<240x128xf32, #tpu.memory_space<hbm>>
    %dma_start3A_213 = arith.constant 0 : i32
    %dma_start3A_214 = tpu.memref_slice %arg4[%multiple_of3A_210, %dma_start3A_213] : memref<100000x128xf32, #tpu.memory_space<hbm>> -> memref<240x128xf32, #tpu.memory_space<hbm>>
    tpu.enqueue_dma source(%arg9 : memref<240x128xf32, #tpu.memory_space<vmem>>) target(%dma_start3A_214 : memref<240x128xf32, #tpu.memory_space<hbm>>) target_semaphore(%arg16 : memref<!tpu.dma_semaphore, #tpu.memory_space<semaphore_mem>>)
    %dma_wait3A_215 = arith.constant 2160 : i32
    %dma_wait3A_216 = tpu.memref_slice %arg6[%dma_wait3A_215] : memref<3128xi32, #tpu.memory_space<vmem>> -> memref<240xi32, #tpu.memory_space<vmem>>
    %dma_wait3A_217 = arith.constant 0 : i32
    %dma_wait3A_218 = arith.constant 0 : i32
    %dma_wait3A_219 = tpu.memref_slice %arg5[%dma_wait3A_217, %dma_wait3A_218] : memref<1000x128xf32, #tpu.memory_space<vmem_shared>> -> memref<1000x128xf32, #tpu.memory_space<vmem_shared>>
    tpu.wait_indirect_dma semaphore(%arg11 : memref<!tpu.dma_semaphore, #tpu.memory_space<semaphore_mem>>) src(%dma_wait3A_219 : memref<1000x128xf32, #tpu.memory_space<vmem_shared>>) dst(%arg7 : memref<240x128xf32, #tpu.memory_space<vmem>>)
    %dma_wait3A_220 = arith.constant 0 : i32
    %dma_wait3A_221 = tpu.memref_slice %arg4[%multiple_of3A_210, %dma_wait3A_220] : memref<100000x128xf32, #tpu.memory_space<hbm>> -> memref<240x128xf32, #tpu.memory_space<hbm>>
    %dma_wait3A_222 = arith.constant 0 : i32
    %dma_wait3A_223 = tpu.memref_slice %arg4[%multiple_of3A_210, %dma_wait3A_222] : memref<100000x128xf32, #tpu.memory_space<hbm>> -> memref<240x128xf32, #tpu.memory_space<hbm>>
    tpu.wait_dma2 semaphore(%arg16 : memref<!tpu.dma_semaphore, #tpu.memory_space<semaphore_mem>>) src(%arg9 : memref<240x128xf32, #tpu.memory_space<vmem>>) dst(%dma_wait3A_223 : memref<240x128xf32, #tpu.memory_space<hbm>>)
    %dma_start3A_224 = arith.constant 2640 : i32
    %dma_start3A_225 = tpu.memref_slice %arg6[%dma_start3A_224] : memref<3128xi32, #tpu.memory_space<vmem>> -> memref<240xi32, #tpu.memory_space<vmem>>
    %dma_start3A_226 = arith.constant 0 : i32
    %dma_start3A_227 = arith.constant 0 : i32
    %dma_start3A_228 = tpu.memref_slice %arg5[%dma_start3A_226, %dma_start3A_227] : memref<1000x128xf32, #tpu.memory_space<vmem_shared>> -> memref<1000x128xf32, #tpu.memory_space<vmem_shared>>
    tpu.enqueue_indirect_dma source(%dma_start3A_228 : memref<1000x128xf32, #tpu.memory_space<vmem_shared>>) target(%arg9 : memref<240x128xf32, #tpu.memory_space<vmem>>) offsets(%dma_start3A_225 : memref<240xi32, #tpu.memory_space<vmem>>) semaphore(%arg13 : memref<!tpu.dma_semaphore, #tpu.memory_space<semaphore_mem>>)
    %add3A_229 = arith.constant 2160 : i32
    %add3A_230 = arith.addi %multiple_of3A, %add3A_229 : i32
    %multiple_of3A_231 = tpu.assume_multiple %add3A_230, 8 : i32
    %dma_start3A_232 = arith.constant 0 : i32
    %dma_start3A_233 = tpu.memref_slice %arg4[%multiple_of3A_231, %dma_start3A_232] : memref<100000x128xf32, #tpu.memory_space<hbm>> -> memref<240x128xf32, #tpu.memory_space<hbm>>
    %dma_start3A_234 = arith.constant 0 : i32
    %dma_start3A_235 = tpu.memref_slice %arg4[%multiple_of3A_231, %dma_start3A_234] : memref<100000x128xf32, #tpu.memory_space<hbm>> -> memref<240x128xf32, #tpu.memory_space<hbm>>
    tpu.enqueue_dma source(%arg7 : memref<240x128xf32, #tpu.memory_space<vmem>>) target(%dma_start3A_235 : memref<240x128xf32, #tpu.memory_space<hbm>>) target_semaphore(%arg14 : memref<!tpu.dma_semaphore, #tpu.memory_space<semaphore_mem>>)
    %dma_wait3A_236 = arith.constant 2400 : i32
    %dma_wait3A_237 = tpu.memref_slice %arg6[%dma_wait3A_236] : memref<3128xi32, #tpu.memory_space<vmem>> -> memref<240xi32, #tpu.memory_space<vmem>>
    %dma_wait3A_238 = arith.constant 0 : i32
    %dma_wait3A_239 = arith.constant 0 : i32
    %dma_wait3A_240 = tpu.memref_slice %arg5[%dma_wait3A_238, %dma_wait3A_239] : memref<1000x128xf32, #tpu.memory_space<vmem_shared>> -> memref<1000x128xf32, #tpu.memory_space<vmem_shared>>
    tpu.wait_indirect_dma semaphore(%arg12 : memref<!tpu.dma_semaphore, #tpu.memory_space<semaphore_mem>>) src(%dma_wait3A_240 : memref<1000x128xf32, #tpu.memory_space<vmem_shared>>) dst(%arg8 : memref<240x128xf32, #tpu.memory_space<vmem>>)
    %dma_wait3A_241 = arith.constant 0 : i32
    %dma_wait3A_242 = tpu.memref_slice %arg4[%multiple_of3A_231, %dma_wait3A_241] : memref<100000x128xf32, #tpu.memory_space<hbm>> -> memref<240x128xf32, #tpu.memory_space<hbm>>
    %dma_wait3A_243 = arith.constant 0 : i32
    %dma_wait3A_244 = tpu.memref_slice %arg4[%multiple_of3A_231, %dma_wait3A_243] : memref<100000x128xf32, #tpu.memory_space<hbm>> -> memref<240x128xf32, #tpu.memory_space<hbm>>
    tpu.wait_dma2 semaphore(%arg14 : memref<!tpu.dma_semaphore, #tpu.memory_space<semaphore_mem>>) src(%arg7 : memref<240x128xf32, #tpu.memory_space<vmem>>) dst(%dma_wait3A_244 : memref<240x128xf32, #tpu.memory_space<hbm>>)
    %dma_start3A_245 = arith.constant 2880 : i32
    %dma_start3A_246 = tpu.memref_slice %arg6[%dma_start3A_245] : memref<3128xi32, #tpu.memory_space<vmem>> -> memref<240xi32, #tpu.memory_space<vmem>>
    %dma_start3A_247 = arith.constant 0 : i32
    %dma_start3A_248 = arith.constant 0 : i32
    %dma_start3A_249 = tpu.memref_slice %arg5[%dma_start3A_247, %dma_start3A_248] : memref<1000x128xf32, #tpu.memory_space<vmem_shared>> -> memref<1000x128xf32, #tpu.memory_space<vmem_shared>>
    tpu.enqueue_indirect_dma source(%dma_start3A_249 : memref<1000x128xf32, #tpu.memory_space<vmem_shared>>) target(%arg7 : memref<240x128xf32, #tpu.memory_space<vmem>>) offsets(%dma_start3A_246 : memref<240xi32, #tpu.memory_space<vmem>>) semaphore(%arg11 : memref<!tpu.dma_semaphore, #tpu.memory_space<semaphore_mem>>)
    %add3A_250 = arith.constant 2400 : i32
    %add3A_251 = arith.addi %multiple_of3A, %add3A_250 : i32
    %multiple_of3A_252 = tpu.assume_multiple %add3A_251, 8 : i32
    %dma_start3A_253 = arith.constant 0 : i32
    %dma_start3A_254 = tpu.memref_slice %arg4[%multiple_of3A_252, %dma_start3A_253] : memref<100000x128xf32, #tpu.memory_space<hbm>> -> memref<240x128xf32, #tpu.memory_space<hbm>>
    %dma_start3A_255 = arith.constant 0 : i32
    %dma_start3A_256 = tpu.memref_slice %arg4[%multiple_of3A_252, %dma_start3A_255] : memref<100000x128xf32, #tpu.memory_space<hbm>> -> memref<240x128xf32, #tpu.memory_space<hbm>>
    tpu.enqueue_dma source(%arg8 : memref<240x128xf32, #tpu.memory_space<vmem>>) target(%dma_start3A_256 : memref<240x128xf32, #tpu.memory_space<hbm>>) target_semaphore(%arg15 : memref<!tpu.dma_semaphore, #tpu.memory_space<semaphore_mem>>)
    %dma_wait3A_257 = arith.constant 2640 : i32
    %dma_wait3A_258 = tpu.memref_slice %arg6[%dma_wait3A_257] : memref<3128xi32, #tpu.memory_space<vmem>> -> memref<240xi32, #tpu.memory_space<vmem>>
    %dma_wait3A_259 = arith.constant 0 : i32
    %dma_wait3A_260 = arith.constant 0 : i32
    %dma_wait3A_261 = tpu.memref_slice %arg5[%dma_wait3A_259, %dma_wait3A_260] : memref<1000x128xf32, #tpu.memory_space<vmem_shared>> -> memref<1000x128xf32, #tpu.memory_space<vmem_shared>>
    tpu.wait_indirect_dma semaphore(%arg13 : memref<!tpu.dma_semaphore, #tpu.memory_space<semaphore_mem>>) src(%dma_wait3A_261 : memref<1000x128xf32, #tpu.memory_space<vmem_shared>>) dst(%arg9 : memref<240x128xf32, #tpu.memory_space<vmem>>)
    %add3A_262 = arith.constant 2640 : i32
    %add3A_263 = arith.addi %multiple_of3A, %add3A_262 : i32
    %multiple_of3A_264 = tpu.assume_multiple %add3A_263, 8 : i32
    %dma_start3A_265 = arith.constant 0 : i32
    %dma_start3A_266 = tpu.memref_slice %arg4[%multiple_of3A_264, %dma_start3A_265] : memref<100000x128xf32, #tpu.memory_space<hbm>> -> memref<240x128xf32, #tpu.memory_space<hbm>>
    %dma_start3A_267 = arith.constant 0 : i32
    %dma_start3A_268 = tpu.memref_slice %arg4[%multiple_of3A_264, %dma_start3A_267] : memref<100000x128xf32, #tpu.memory_space<hbm>> -> memref<240x128xf32, #tpu.memory_space<hbm>>
    tpu.enqueue_dma source(%arg9 : memref<240x128xf32, #tpu.memory_space<vmem>>) target(%dma_start3A_268 : memref<240x128xf32, #tpu.memory_space<hbm>>) target_semaphore(%arg16 : memref<!tpu.dma_semaphore, #tpu.memory_space<semaphore_mem>>)
    %dma_wait3A_269 = arith.constant 2880 : i32
    %dma_wait3A_270 = tpu.memref_slice %arg6[%dma_wait3A_269] : memref<3128xi32, #tpu.memory_space<vmem>> -> memref<240xi32, #tpu.memory_space<vmem>>
    %dma_wait3A_271 = arith.constant 0 : i32
    %dma_wait3A_272 = arith.constant 0 : i32
    %dma_wait3A_273 = tpu.memref_slice %arg5[%dma_wait3A_271, %dma_wait3A_272] : memref<1000x128xf32, #tpu.memory_space<vmem_shared>> -> memref<1000x128xf32, #tpu.memory_space<vmem_shared>>
    tpu.wait_indirect_dma semaphore(%arg11 : memref<!tpu.dma_semaphore, #tpu.memory_space<semaphore_mem>>) src(%dma_wait3A_273 : memref<1000x128xf32, #tpu.memory_space<vmem_shared>>) dst(%arg7 : memref<240x128xf32, #tpu.memory_space<vmem>>)
    %add3A_274 = arith.constant 2880 : i32
    %add3A_275 = arith.addi %multiple_of3A, %add3A_274 : i32
    %multiple_of3A_276 = tpu.assume_multiple %add3A_275, 8 : i32
    %dma_start3A_277 = arith.constant 0 : i32
    %dma_start3A_278 = tpu.memref_slice %arg4[%multiple_of3A_276, %dma_start3A_277] : memref<100000x128xf32, #tpu.memory_space<hbm>> -> memref<240x128xf32, #tpu.memory_space<hbm>>
    %dma_start3A_279 = arith.constant 0 : i32
    %dma_start3A_280 = tpu.memref_slice %arg4[%multiple_of3A_276, %dma_start3A_279] : memref<100000x128xf32, #tpu.memory_space<hbm>> -> memref<240x128xf32, #tpu.memory_space<hbm>>
    tpu.enqueue_dma source(%arg7 : memref<240x128xf32, #tpu.memory_space<vmem>>) target(%dma_start3A_280 : memref<240x128xf32, #tpu.memory_space<hbm>>) target_semaphore(%arg14 : memref<!tpu.dma_semaphore, #tpu.memory_space<semaphore_mem>>)
    %convert_element_type3A_281 = arith.extui %lt3A_1 : i1 to i32
    %cond3A_282 = arith.constant 0 : i32
    %cond3A_283 = arith.cmpi ne, %convert_element_type3A_281, %cond3A_282 : i32
    scf.if %cond3A_283 {
      %dma_wait3A_299 = arith.constant 0 : i32
      %dma_wait3A_300 = arith.constant 0 : i32
      %dma_wait3A_301 = tpu.memref_slice %arg4[%dma_wait3A_299, %dma_wait3A_300] : memref<100000x128xf32, #tpu.memory_space<hbm>> -> memref<8x128xf32, #tpu.memory_space<hbm>>
      %dma_wait3A_302 = arith.constant 0 : i32
      %dma_wait3A_303 = arith.constant 0 : i32
      %dma_wait3A_304 = tpu.memref_slice %arg4[%dma_wait3A_302, %dma_wait3A_303] : memref<100000x128xf32, #tpu.memory_space<hbm>> -> memref<8x128xf32, #tpu.memory_space<hbm>>
      tpu.wait_dma2 semaphore(%arg17 : memref<!tpu.dma_semaphore, #tpu.memory_space<semaphore_mem>>) src(%dma_wait3A_304 : memref<8x128xf32, #tpu.memory_space<hbm>>) dst(%arg10 : memref<8x128xf32, #tpu.memory_space<vmem>>)
      %add3A_305 = arith.constant 3120 : i32
      %add3A_306 = arith.addi %multiple_of3A, %add3A_305 : i32
      %multiple_of3A_307 = tpu.assume_multiple %add3A_306, 8 : i32
      %dma_start3A_308 = arith.constant 0 : i32
      %dma_start3A_309 = tpu.memref_slice %arg4[%multiple_of3A_307, %dma_start3A_308] : memref<100000x128xf32, #tpu.memory_space<hbm>> -> memref<8x128xf32, #tpu.memory_space<hbm>>
      %dma_start3A_310 = arith.constant 0 : i32
      %dma_start3A_311 = tpu.memref_slice %arg4[%multiple_of3A_307, %dma_start3A_310] : memref<100000x128xf32, #tpu.memory_space<hbm>> -> memref<8x128xf32, #tpu.memory_space<hbm>>
      tpu.enqueue_dma source(%arg10 : memref<8x128xf32, #tpu.memory_space<vmem>>) target(%dma_start3A_311 : memref<8x128xf32, #tpu.memory_space<hbm>>) target_semaphore(%arg17 : memref<!tpu.dma_semaphore, #tpu.memory_space<semaphore_mem>>)
    } else {
    }
    %dma_wait3A_284 = arith.constant 0 : i32
    %dma_wait3A_285 = tpu.memref_slice %arg4[%multiple_of3A_276, %dma_wait3A_284] : memref<100000x128xf32, #tpu.memory_space<hbm>> -> memref<240x128xf32, #tpu.memory_space<hbm>>
    %dma_wait3A_286 = arith.constant 0 : i32
    %dma_wait3A_287 = tpu.memref_slice %arg4[%multiple_of3A_276, %dma_wait3A_286] : memref<100000x128xf32, #tpu.memory_space<hbm>> -> memref<240x128xf32, #tpu.memory_space<hbm>>
    tpu.wait_dma2 semaphore(%arg14 : memref<!tpu.dma_semaphore, #tpu.memory_space<semaphore_mem>>) src(%arg7 : memref<240x128xf32, #tpu.memory_space<vmem>>) dst(%dma_wait3A_287 : memref<240x128xf32, #tpu.memory_space<hbm>>)
    %dma_wait3A_288 = arith.constant 0 : i32
    %dma_wait3A_289 = tpu.memref_slice %arg4[%multiple_of3A_252, %dma_wait3A_288] : memref<100000x128xf32, #tpu.memory_space<hbm>> -> memref<240x128xf32, #tpu.memory_space<hbm>>
    %dma_wait3A_290 = arith.constant 0 : i32
    %dma_wait3A_291 = tpu.memref_slice %arg4[%multiple_of3A_252, %dma_wait3A_290] : memref<100000x128xf32, #tpu.memory_space<hbm>> -> memref<240x128xf32, #tpu.memory_space<hbm>>
    tpu.wait_dma2 semaphore(%arg15 : memref<!tpu.dma_semaphore, #tpu.memory_space<semaphore_mem>>) src(%arg8 : memref<240x128xf32, #tpu.memory_space<vmem>>) dst(%dma_wait3A_291 : memref<240x128xf32, #tpu.memory_space<hbm>>)
    %dma_wait3A_292 = arith.constant 0 : i32
    %dma_wait3A_293 = tpu.memref_slice %arg4[%multiple_of3A_264, %dma_wait3A_292] : memref<100000x128xf32, #tpu.memory_space<hbm>> -> memref<240x128xf32, #tpu.memory_space<hbm>>
    %dma_wait3A_294 = arith.constant 0 : i32
    %dma_wait3A_295 = tpu.memref_slice %arg4[%multiple_of3A_264, %dma_wait3A_294] : memref<100000x128xf32, #tpu.memory_space<hbm>> -> memref<240x128xf32, #tpu.memory_space<hbm>>
    tpu.wait_dma2 semaphore(%arg16 : memref<!tpu.dma_semaphore, #tpu.memory_space<semaphore_mem>>) src(%arg9 : memref<240x128xf32, #tpu.memory_space<vmem>>) dst(%dma_wait3A_295 : memref<240x128xf32, #tpu.memory_space<hbm>>)
    %convert_element_type3A_296 = arith.extui %lt3A_1 : i1 to i32
    %cond3A_297 = arith.constant 0 : i32
    %cond3A_298 = arith.cmpi ne, %convert_element_type3A_296, %cond3A_297 : i32
    scf.if %cond3A_298 {
      %dma_wait3A_299 = arith.constant 0 : i32
      %dma_wait3A_300 = arith.constant 0 : i32
      %dma_wait3A_301 = tpu.memref_slice %arg4[%dma_wait3A_299, %dma_wait3A_300] : memref<100000x128xf32, #tpu.memory_space<hbm>> -> memref<8x128xf32, #tpu.memory_space<hbm>>
      %dma_wait3A_302 = arith.constant 0 : i32
      %dma_wait3A_303 = arith.constant 0 : i32
      %dma_wait3A_304 = tpu.memref_slice %arg4[%dma_wait3A_302, %dma_wait3A_303] : memref<100000x128xf32, #tpu.memory_space<hbm>> -> memref<8x128xf32, #tpu.memory_space<hbm>>
      tpu.wait_dma2 semaphore(%arg17 : memref<!tpu.dma_semaphore, #tpu.memory_space<semaphore_mem>>) src(%arg10 : memref<8x128xf32, #tpu.memory_space<vmem>>) dst(%dma_wait3A_304 : memref<8x128xf32, #tpu.memory_space<hbm>>)
    } else {
    }
    return
  }
}

</mosaic_0001>

<sc_bundles>
// kernel: kernel.3.cloned.1.call-start
scs
__scs_entry_jumppad:
0x0: {  	(pc) =	sbr.rel $0x88, $3  }
0x1: {  	(tag) =	ssettag $0x0;
	lr =	simm.s32 $0x1  }
0x2: {  	[smem:$0x3F9F] =	sst lr;
	_ =	strace $0xD0000000  }
0x3: {  	_ = 	snop  }
0x4: {  	_ = 	snop  }
0x5: {  	_ = 	snop  }
0x6: {  	_ = 	snop  }
0x7: {  	_ = 	snop  }
__scs_overlays_trampoline_lowered:
0x8: {  	[smem:$0x3FAE] =	sst s0  }
0x9: {  	[smem:$0x3FAF] =	sst s1  }
0xa: {  	[smem:$0x3FB0] =	sst s2  }
0xb: {  	[smem:$0x3FB1] =	sst s3  }
0xc: {  	[smem:$0x3FB2] =	sst s4  }
0xd: {  	[smem:$0x3FB3] =	sst s5  }
0xe: {  	[smem:$0x3FB4] =	sst s6  }
0xf: {  	[smem:$0x3FB5] =	sst s7  }
0x10: {  	[smem:$0x3FB6] =	sst s8  }
0x11: {  	[smem:$0x3FB7] =	sst s9;
	s0 =	simm.s32 @!p0 $0x0  }
0x12: {  	s1 =	sld [smem:$0x3F9D];
	s0 =	simm.s32 @p0 $0x1  }
0x13: {  	[smem:$0x3FB8] =	sst s0;
	s0 =	simm.s32 @!p1 $0x0  }
0x14: {  	s2 =	sld [smem:$0x3F9C];
	s0 =	simm.s32 @p1 $0x1  }
0x15: {  	[smem:$0x3FB9] =	sst s0;
	s0 =	simm.s32 @!p2 $0x0  }
0x16: {  	s3 =	sld [smem:$0x3FDB];
	s0 =	simm.s32 @p2 $0x1  }
0x17: {  	s4 =	simm.s32 $0x1BF5;
	[smem:$0x3FBB] =	sst s0  }
0x18: {  	s0 =	sld [smem:$0x3F9E];
	_ =	swait.ge [sflag:s4], $0x0  }
0x19: {  	s7 =	sld [smem:$0x3F9F]  }
0x1a: {  	s8 =	sadd.s32 $0xFFFFE003, lr  }
0x1b: {  	s9 =	sadd.s32 $0xFFFFFEF7, lr;
	s5 =	simm.s32 $0xFFFFFFFF;
	p2 =	slt.u32 s8, $0xFFFFF086  }
0x1c: {  	p1 =	slt.u32 s9, $0xF7A;
	s5 =	simm.s32 @!p2 $0x0  }
0x1d: {  	s5 =	simm.s32 @p1 $0x1;
	p0 =	seq.s32 s7, s2  }
0x1e: {  	s7 =	smul.u32 @!p0 $0xF7A, s2;
	p2 =	seq.s32 @!p0 s5, $0x0  }
0x1f: {  	s9 =	smul.u32 $0xF7A, s1;
	s8 =	simm.s32 @!p0 $0x1BF5;
	p2 =	por !p2, p0  }
0x20: {  	[sflag:s8] =	ssyncset.s32 @!p0 $0xFFFFF086;
	s6 =	sadd.s32 @!p0 s3, s7;
	s7 =	simm.s32 @!p0 $0x108  }
0x21: {  	s3 =	sadd.s32 s3, s9;
	s6 =	sadd.s32 @!p0 $0x88, s6;
	s7 =	simm.s32 @p2 $0x1082  }
0x22: {  	[simem:s7], [sflag:s8] =	dma.local @!p0 [hbm:s6], $0xF7A  }
0x23: {  	s9 =	sor.u32 $0xD0000000, s2;
	s6 =	simm.s32 $0x108;
	_ =	swait.ge @!p0 [sflag:s8], $0x0  }
0x24: {  	s3 =	sadd.s32 $0x88, s3;
	s6 =	simm.s32 @!p1 $0x1082;
	[sflag:s4] =	ssyncset.s32 $0xFFFFF086  }
0x25: {  	[simem:s6], [sflag:s4] =	dma.local [hbm:s3], $0xF7A  }
0x26: {  	[smem:$0x3F9F] =	sst s1;
	(tag) =	ssettag s2;
	_ =	strace s9  }
0x27: {  	s1 =	sld [smem:$0x3FAF]  }
0x28: {  	s2 =	sld [smem:$0x3FB0]  }
0x29: {  	s4 =	sld [smem:$0x3FB2]  }
0x2a: {  	p0 =	seq.s32 s5, $0x0;
	s5 =	sld [smem:$0x3FB3]  }
0x2b: {  	s6 =	sld [smem:$0x3FB4]  }
0x2c: {  	s7 =	sld [smem:$0x3FB5]  }
0x2d: {  	s3 =	simm.s32 $0x108;
	s8 =	sld [smem:$0x3FB6]  }
0x2e: {  	s3 =	simm.s32 @!p0 $0x1082;
	s9 =	sld [smem:$0x3FB7]  }
0x2f: {  	lr =	sadd.s32 s0, s3;
	s0 =	sld [smem:$0x3FAE]  }
0x30: {  	s3 =	sld [smem:$0x3FB1]  }
0x31: {  	[smem:$0x3FBA] =	sst s10  }
0x32: {  	s10 =	sld [smem:$0x3FB8];
	_ =	sdelay $0x3  }
0x33: {  	p0 =	seq.s32 s10, $0x1;
	s10 =	sld [smem:$0x3FBA];
	_ =	sdelay $0x3  }
0x34: {  	[smem:$0x3FBA] =	sst s10  }
0x35: {  	s10 =	sld [smem:$0x3FB9];
	_ =	sdelay $0x3  }
0x36: {  	p1 =	seq.s32 s10, $0x1;
	s10 =	sld [smem:$0x3FBA];
	_ =	sdelay $0x3  }
0x37: {  	[smem:$0x3FBA] =	sst s10  }
0x38: {  	s10 =	sld [smem:$0x3FBB]  }
0x39: {  	_ = 	snop;
	(pc) =	sbr.ind lr, $3  }
0x3a: {  	_ = 	snop  }
0x3b: {  	_ = 	snop  }
0x3c: {  	p2 =	seq.s32 s10, $0x1;
	s10 =	sld [smem:$0x3FBA]  }
0x3d: {  	_ =	shalt  }
0x3e: {  	_ =	shalt  }
0x3f: {  	_ =	shalt  }
0x40: {  	_ =	shalt  }
0x41: {  	_ =	shalt  }
0x42: {  	_ =	shalt  }
0x43: {  	_ =	shalt  }
0x44: {  	_ =	shalt  }
0x45: {  	_ =	shalt  }
0x46: {  	_ =	shalt  }
0x47: {  	_ =	shalt  }
0x48: {  	_ =	shalt  }
0x49: {  	_ =	shalt  }
0x4a: {  	_ =	shalt  }
0x4b: {  	_ =	shalt  }
0x4c: {  	_ =	shalt  }
0x4d: {  	_ =	shalt  }
0x4e: {  	_ =	shalt  }
0x4f: {  	_ =	shalt  }
0x50: {  	_ =	shalt  }
0x51: {  	_ =	shalt  }
0x52: {  	_ =	shalt  }
0x53: {  	_ =	shalt  }
0x54: {  	_ =	shalt  }
0x55: {  	_ =	shalt  }
0x56: {  	_ =	shalt  }
0x57: {  	_ =	shalt  }
0x58: {  	_ =	shalt  }
0x59: {  	_ =	shalt  }
0x5a: {  	_ =	shalt  }
0x5b: {  	_ =	shalt  }
0x5c: {  	_ =	shalt  }
0x5d: {  	_ =	shalt  }
0x5e: {  	_ =	shalt  }
0x5f: {  	_ =	shalt  }
0x60: {  	_ =	shalt  }
0x61: {  	_ =	shalt  }
0x62: {  	_ =	shalt  }
0x63: {  	_ =	shalt  }
0x64: {  	_ =	shalt  }
0x65: {  	_ =	shalt  }
0x66: {  	_ =	shalt  }
0x67: {  	_ =	shalt  }
0x68: {  	_ =	shalt  }
0x69: {  	_ =	shalt  }
0x6a: {  	_ =	shalt  }
0x6b: {  	_ =	shalt  }
0x6c: {  	_ =	shalt  }
0x6d: {  	_ =	shalt  }
0x6e: {  	_ =	shalt  }
0x6f: {  	_ =	shalt  }
0x70: {  	_ =	shalt  }
0x71: {  	_ =	shalt  }
0x72: {  	_ =	shalt  }
0x73: {  	_ =	shalt  }
0x74: {  	_ =	shalt  }
0x75: {  	_ =	shalt  }
0x76: {  	_ =	shalt  }
0x77: {  	_ =	shalt  }
0x78: {  	_ =	shalt  }
0x79: {  	_ =	shalt  }
0x7a: {  	_ =	shalt  }
0x7b: {  	_ =	shalt  }
0x7c: {  	_ =	shalt  }
0x7d: {  	_ =	shalt  }
0x7e: {  	_ =	shalt  }
0x7f: {  	_ =	shalt  }
0x80: {  	_ =	shalt  }
0x81: {  	_ =	shalt  }
0x82: {  	_ =	shalt  }
0x83: {  	_ =	shalt  }
0x84: {  	_ =	shalt  }
0x85: {  	_ =	shalt  }
0x86: {  	_ =	shalt  }
0x87: {  	_ =	shalt  }
.Lfunc_end0:
.L_simem_size_0:
called_computation_lowered:
.L_overlay_start_0:
0x88: {  	s2 =	sld [smem:$0x3FD9]  }
0x89: {  	s3 =	sld [smem:$0x3FFE];
	_ =	sdelay $0x1  }
0x8a: {  	s1 =	srdreg.scid  }
0x8b: {  	s0 =	sand.u32 $0x1, s1  }
0x8c: {  	s18 =	sshll.u32 s0, $0xA;
	s2 =	sadd.s32 s3, s2  }
0x8d: {  	s2 =	sadd.s32 s2, s18  }
0x8e: {  	[smem:$0x3FC6] =	sst s2  }
0x8f: {  	_ = 	snop  }
0x90: {  	s2 =	sld [smem:$0x3FC9]  }
0x91: {  	s19 =	sld [smem:$0x3FC8]  }
0x92: {  	s4 =	sld [smem:$0x3FD0];
	(tm) =	ssettm $0x1  }
0x93: {  	s5 =	sld [smem:$0x3FFB];
	_ =	sdelay $0x3  }
0x94: {  	_ =	strace s5  }
0x95: {  	s5 =	sld [smem:$0x3FFC];
	_ =	sdelay $0x3  }
0x96: {  	_ =	strace s5  }
0x97: {  	s5 =	sld [smem:$0x3FFD];
	_ =	sdelay $0x3  }
0x98: {  	_ =	strace s5  }
0x99: {  	_ =	strace $0x8FFFFFFF  }
0x9a: {  	s20 =	sld [smem:$0x3FDB];
	_ =	sdelay $0x1  }
0x9b: {  	s6 =	simm.s32 $_scs_section_size  }
0x9c: {  	s7 =	simm.s32 $_size__tile_overlayer_lowered;
	s8 =	simm.s32 $_tile_overlayer_lowered  }
0x9d: {  	s23 =	simm.s32 $0x1BFF;
	s22 =	sshll.u32 s8, $0x1;
	s5 =	sadd.s32 s6, s20  }
0x9e: {  	s9 =	simm.s32 $0x0;
	s21 =	sshll.u32 s7, $0x1;
	s7 =	sadd.s32 s22, s5  }
0x9f: {  	[timem:s9], [sflag:s23] =	dma.local [hbm:s7], s21  }
0xa0: {  	_ =	swait.ge [sflag:s23], s21  }
0xa1: {  	s6 =	ssub.s32 $0x0, s21;
	[sflag:s23] =	ssyncset.done $0x0  }
0xa2: {  	[sflag:s23] =	ssyncadd.s32 s6;
	_ =	sdelay $0x1  }
0xa3: {  	s24 =	simm.s32 $0x1B8B  }
0xa4: {  	_ =	swait.ge [sflag:s24], $0x1  }
0xa5: {  	[sflag:s24] =	ssyncset.done $0x0  }
0xa6: {  	s25 =	simm.s32 $0x1B8E;
	[sflag:s24] =	ssyncadd.s32 $0xFFFFFFFF  }
0xa7: {  	s26 =	simm.s32 $execute0_lowered;
	[smem:$0x3FD2] =	sst s25  }
0xa8: {  	s6 =	sshll.u32 s26, $0x1;
	_ =	strace $0x80000046;
	[dreg:$0x1] =	wrdreg $0xFFFFFFFF  }
0xa9: {  	s28 =	simm.s32 $_size_execute0_lowered;
	s5 =	sadd.s32 s5, s6;
	[dreg:$0x0] =	wrdreg $0x0  }
0xaa: {  	s6 =	sshll.u32 s28, $0x1;
	[dreg:$0x2] =	wrdreg s5  }
0xab: {  	[dreg:$0x3] =	wrdreg s6  }
0xac: {  	[dreg:$0x4] =	wrdreg $0xC0  }
0xad: {  	_ =	task [dreg:s9], $0x5FFFF  }
0xae: {  	[dreg:$0x1] =	wrdreg $0xFFFFFFFF  }
0xaf: {  	[dreg:$0x0] =	wrdreg $0x60  }
0xb0: {  	[dreg:$0x2] =	wrdreg s2  }
0xb1: {  	[dreg:$0x3] =	wrdreg s19  }
0xb2: {  	[dreg:$0x4] =	wrdreg s4  }
0xb3: {  	[dreg:$0x5] =	wrdreg $0x0  }
0xb4: {  	[dreg:$0x6] =	wrdreg $0x9  }
0xb5: {  	_ =	task.clear_ibuf [dreg:s9], $0x7FFFF;
	_ =	strace $0x90000046  }
0xb6: {  	s29 =	simm.s32 $0x9;
	_ =	strace $0x80000048  }
0xb7: {  	_ =	swait.ge [sflag:s29], $0x1  }
0xb8: {  	[sflag:s29] =	ssyncadd.s32 $0xFFFFFFFF  }
0xb9: {  	_ =	strace $0x90000048  }
0xba: {  	_ =	sfence  }
0xbb: {  	s30 =	sld [smem:$0x0];
	_ =	sdelay $0x2  }
0xbc: {  	s31 =	sshll.u32 s1, $0xD;
	s1 =	sshrl.u32 s1, $0x2  }
0xbd: {  	s3 =	sand.u32 $0x4000, s31;
	s1 =	sadd.s32 s1, s30  }
0xbe: {  	s0 =	sor.u32 s3, s0;
	s1 =	sshll.u32 s1, $0x11  }
0xbf: {  	s0 =	sor.u32 s1, s0  }
0xc0: {  	s0 =	sadd.s32 $0x8F2B, s0  }
0xc1: {  	[sflag:s0] =	ssyncadd.remote.s32 $0x1  }
0xc2: {  	_ =	sfence.sel $0xFFFF  }
0xc3: {  	[dreg:$0x0] =	wrdreg $0xFFFFFFFF;
	(pc) =	sbr.abs _section_cstart, $3  }
0xc4: {  	[dreg:$0x1] =	wrdreg $0xFFFFFFFF  }
0xc5: {  	_ =	task.clear_ibuf [dreg:s9], $0x2FFFF;
	_ =	strace $0x9FFFFFFF  }
0xc6: {  	(tm) =	ssettm $0x7FFFFFFF  }
0xc7: {  	_ =	shalt  }
tec
execute0_lowered:
.L_overlay_start_1:
0x0: {  	(tag) =	ssettag $0x1  }
0x1: {  	s0 =	rddreg [dreg:$0x0]  }
0x2: {  	s1 =	rddreg [dreg:$0x1]  }
0x3: {  	s4 =	rddreg [dreg:$0x2]  }
0x4: {  	s3 =	srdreg.scid;
	s22 =	stileid.u32  }
0x5: {  	s2 =	rddreg [dreg:$0x3];
	s28 =	simm.s32 $0xF0;
	s29 =	simm.s32 $0x2BC0  }
0x6: {  	s31 =	simm.s32 $0xA3C0;
	s30 =	simm.s32 $0x5;
	s5 =	sand.u32 $0x1, s3  }
0x7: {  	s6 =	sshll.u32 s22, $0x1;
	s3 =	simm.s32 $0x0;
	s23 =	smul.u32 $0x19000, s22  }
0x8: {  	p0 =	slt.u32 s22, $0xA;
	s24 =	smul.u32 $0xC80, s22;
	p1 =	sgt.u32 s22, $0x4  }
0x9: {  	s6 =	sor.u32 s5, s6;
	[smem:$0x7FF] =	sst s3;
	s5 =	ssub.s32 $0x2, s5  }
0xa: {  	s7 =	smul.u32 $0xC30, s6;
	_ =	strace $0x80000047;
	s8 =	sshrl.u32 s5, $0x1  }
0xb: {  	s6 =	smul.u32 $0xC38, s6;
	s1 =	sadd.s32 s1, s24;
	s5 =	ssub.s32 s5, s8  }
0xc: {  	s8 =	sshrl.u32 s23, $0x2;
	[dreg:$0x7] =	wrdreg s1;
	s23 =	simm.s32 $0x8  }
0xd: {  	s1 =	simm.s32 $0x1;
	s7 =	sadd.s32 $0xA0, s7;
	s21 =	smax.u32 s5, $0x1  }
0xe: {  	s9 =	sshrl.u32 s7, $0x3;
	s7 =	smov.u32 @p0 s6;
	s6 =	sshrl.u32 s6, $0x3  }
0xf: {  	p0 =	sgt.u32 s22, $0x9;
	s22 =	simm.s32 $0x1F40;
	s9 =	sadd.s32 s0, s9  }
0x10: {  	s7 =	sshll.u32 s7, $0x4;
	s0 =	sadd.s32 s0, s6;
	[dreg:$0x5] =	wrdreg s9  }
0x11: {  	s6 =	simm.s32 $0x3;
	s10 =	sand.u32 $0x1FFFFF80, s7;
	[dreg:$0x6] =	wrdreg s0  }
0x12: {  	s0 =	sadd.s32 s8, s2;
	s26 =	sadd.s32 s4, s7;
	s25 =	sadd.s32 s4, s10  }
0x13: {  	[dreg:$0x8] =	wrdreg s26;
	s0 =	sshrl.u32 @!p1 s0, $0x3;
	s26 =	simm.s32 $0x11BC0  }
0x14: {  	s4 =	simm.s32 $0x4;
	s8 =	sadd.s32 $0xF00, s25;
	s9 =	sadd.s32 $0x1E00, s25  }
.Ltmp0:
0x15: {  	s10 =	sadd.s32 $0x2D00, s25;
	s11 =	sadd.s32 $0x3C00, s25;
	(pc) =	sbr.rel .LBB2_1-.Ltmp0, $4  }
0x16: {  	s12 =	sadd.s32 $0x4B00, s25;
	s13 =	sadd.s32 $0x5A00, s25;
	s14 =	sadd.s32 $0x6900, s25  }
0x17: {  	s15 =	sadd.s32 $0x7800, s25;
	s16 =	sadd.s32 $0x8700, s25;
	s17 =	sadd.s32 $0x9600, s25  }
0x18: {  	s18 =	sadd.s32 $0xA500, s25;
	s19 =	sadd.s32 $0xB400, s25;
	s20 =	sadd.s32 $0xC300, s25  }
0x19: {  	[dreg:$0x9] =	wrdreg s0;
	s0 =	simm.s32 $0x2;
	s25 =	simm.s32 $0x6  }
.LBB2_2:
0x1a: {  	s5 =	rddreg [dreg:$0x6]  }
0x1b: {  	[tilespmem:s22], [sflag:$0x8] =	stream.linear.gather [hbm4b:s5+s3], $0xC38, $0x38;
	[tilespmem:$0x197C0] =	vst v63  }
0x1c: {  	s5 =	stileid.u32;
	_ =	swait.ge [sflag:s23], $0xC38  }
0x1d: {  	s5 =	sshll.u32 @!p1 s5, $0x6;
	[sflag:s23] =	ssyncset.done $0x0;
	s7 =	rddreg [dreg:$0x7]  }
0x1e: {  	s5 =	sor.u32 @!p1 $0x1C08, s5;
	s24 =	rddreg [dreg:$0x9];
	[sflag:s23] =	ssyncadd.s32 $0xFFFFF3C8  }
0x1f: {  	[spmem:s24], [sflag:s5] =	dma.local @!p1 [hbm:s7], $0xC80  }
0x20: {  	s5 =	simm.s32 @!p1 $0x8  }
0x21: {  	_ =	swait.ge @!p1 [sflag:s5], $0xC80  }
0x22: {  	[sflag:s5] =	ssyncset.done @!p1 $0x0  }
0x23: {  	[sflag:s5] =	ssyncadd.s32 @!p1 $0xFFFFF380  }
0x24: {  	s7 =	simm.s32 $0x2B70;
	s24 =	simm.s32 $0x193C0;
	[bflag:$0x0] =	sbarrier.arrive $0xFFFF  }
0x25: {  	[tilespmem:s24], [sflag:$0x7] =	stream.indirect.gather [spmem:s2], $0x80, s7, s23, $0xb8;
	[tilespmem:$0x197C0] =	vst v63  }
.LBB2_3:
0x26: {  	[tilespmem:s29], [sflag:$0x1] =	stream.indirect.gather [spmem:s2], $0x80, s22, s28, $0xb8;
	[tilespmem:$0x197C0] =	vst v63  }
0x27: {  	s5 =	simm.s32 $0x2030  }
0x28: {  	[tilespmem:s31], [sflag:$0x2] =	stream.indirect.gather [spmem:s2], $0x80, s5, s28, $0xb8;
	[tilespmem:$0x197C0] =	vst v63  }
0x29: {  	_ =	swait.ge [sflag:s1], $0x7800  }
0x2a: {  	[sflag:s1] =	ssyncset.done $0x0  }
0x2b: {  	s7 =	simm.s32 $0x2120;
	[sflag:s1] =	ssyncadd.s32 $0xFFFF8800  }
0x2c: {  	[tilespmem:s26], [sflag:$0x3] =	stream.indirect.gather [spmem:s2], $0x80, s7, s28, $0xb8;
	[tilespmem:$0x197C0] =	vst v63  }
0x2d: {  	s24 =	rddreg [dreg:$0x8]  }
0x2e: {  	[hbm4b:s24+s3] =	stream.linear.scatter [tilespmem:s29], [sflag:$0x4], $0x7800, $0x38;
	[tilespmem:$0x197C0] =	vst v63  }
0x2f: {  	_ =	swait.ge [sflag:s0], $0x7800  }
0x30: {  	[sflag:s0] =	ssyncset.done $0x0  }
0x31: {  	[sflag:s0] =	ssyncadd.s32 $0xFFFF8800  }
0x32: {  	_ =	swait.ge [sflag:s4], $0x7800  }
0x33: {  	[sflag:s4] =	ssyncset.done $0x0  }
0x34: {  	s7 =	simm.s32 $0x2210;
	[sflag:s4] =	ssyncadd.s32 $0xFFFF8800  }
0x35: {  	[tilespmem:s29], [sflag:$0x1] =	stream.indirect.gather [spmem:s2], $0x80, s7, s28, $0xb8;
	[tilespmem:$0x197C0] =	vst v63  }
0x36: {  	_ = 	snop  }
0x37: {  	[hbm4b:s8+s3] =	stream.linear.scatter [tilespmem:s31], [sflag:$0x5], $0x7800, $0x38;
	[tilespmem:$0x197C0] =	vst v63  }
0x38: {  	_ =	swait.ge [sflag:s6], $0x7800  }
0x39: {  	[sflag:s6] =	ssyncset.done $0x0  }
0x3a: {  	[sflag:s6] =	ssyncadd.s32 $0xFFFF8800  }
0x3b: {  	_ =	swait.ge [sflag:s30], $0x7800  }
0x3c: {  	[sflag:s30] =	ssyncset.done $0x0  }
0x3d: {  	s24 =	simm.s32 $0x2300;
	[sflag:s30] =	ssyncadd.s32 $0xFFFF8800  }
0x3e: {  	[tilespmem:s31], [sflag:$0x2] =	stream.indirect.gather [spmem:s2], $0x80, s24, s28, $0xb8;
	[tilespmem:$0x197C0] =	vst v63  }
0x3f: {  	_ = 	snop  }
0x40: {  	[hbm4b:s9+s3] =	stream.linear.scatter [tilespmem:s26], [sflag:$0x6], $0x7800, $0x38;
	[tilespmem:$0x197C0] =	vst v63  }
0x41: {  	_ =	swait.ge [sflag:s1], $0x7800  }
0x42: {  	[sflag:s1] =	ssyncset.done $0x0  }
0x43: {  	[sflag:s1] =	ssyncadd.s32 $0xFFFF8800  }
0x44: {  	_ =	swait.ge [sflag:s25], $0x7800  }
0x45: {  	[sflag:s25] =	ssyncset.done $0x0  }
0x46: {  	s7 =	simm.s32 $0x23F0;
	[sflag:s25] =	ssyncadd.s32 $0xFFFF8800  }
0x47: {  	[tilespmem:s26], [sflag:$0x3] =	stream.indirect.gather [spmem:s2], $0x80, s7, s28, $0xb8;
	[tilespmem:$0x197C0] =	vst v63  }
0x48: {  	_ = 	snop  }
0x49: {  	[hbm4b:s10+s3] =	stream.linear.scatter [tilespmem:s29], [sflag:$0x4], $0x7800, $0x38;
	[tilespmem:$0x197C0] =	vst v63  }
0x4a: {  	_ =	swait.ge [sflag:s0], $0x7800  }
0x4b: {  	[sflag:s0] =	ssyncset.done $0x0  }
0x4c: {  	[sflag:s0] =	ssyncadd.s32 $0xFFFF8800  }
0x4d: {  	_ =	swait.ge [sflag:s4], $0x7800  }
0x4e: {  	[sflag:s4] =	ssyncset.done $0x0  }
0x4f: {  	s24 =	simm.s32 $0x24E0;
	[sflag:s4] =	ssyncadd.s32 $0xFFFF8800  }
0x50: {  	[tilespmem:s29], [sflag:$0x1] =	stream.indirect.gather [spmem:s2], $0x80, s24, s28, $0xb8;
	[tilespmem:$0x197C0] =	vst v63  }
0x51: {  	_ = 	snop  }
0x52: {  	[hbm4b:s11+s3] =	stream.linear.scatter [tilespmem:s31], [sflag:$0x5], $0x7800, $0x38;
	[tilespmem:$0x197C0] =	vst v63  }
0x53: {  	_ =	swait.ge [sflag:s6], $0x7800  }
0x54: {  	[sflag:s6] =	ssyncset.done $0x0  }
0x55: {  	[sflag:s6] =	ssyncadd.s32 $0xFFFF8800  }
0x56: {  	_ =	swait.ge [sflag:s30], $0x7800  }
0x57: {  	[sflag:s30] =	ssyncset.done $0x0  }
0x58: {  	s7 =	simm.s32 $0x25D0;
	[sflag:s30] =	ssyncadd.s32 $0xFFFF8800  }
0x59: {  	[tilespmem:s31], [sflag:$0x2] =	stream.indirect.gather [spmem:s2], $0x80, s7, s28, $0xb8;
	[tilespmem:$0x197C0] =	vst v63  }
0x5a: {  	_ = 	snop  }
0x5b: {  	[hbm4b:s12+s3] =	stream.linear.scatter [tilespmem:s26], [sflag:$0x6], $0x7800, $0x38;
	[tilespmem:$0x197C0] =	vst v63  }
0x5c: {  	_ =	swait.ge [sflag:s1], $0x7800  }
0x5d: {  	[sflag:s1] =	ssyncset.done $0x0  }
0x5e: {  	[sflag:s1] =	ssyncadd.s32 $0xFFFF8800  }
0x5f: {  	_ =	swait.ge [sflag:s25], $0x7800  }
0x60: {  	[sflag:s25] =	ssyncset.done $0x0  }
0x61: {  	s24 =	simm.s32 $0x26C0;
	[sflag:s25] =	ssyncadd.s32 $0xFFFF8800  }
0x62: {  	[tilespmem:s26], [sflag:$0x3] =	stream.indirect.gather [spmem:s2], $0x80, s24, s28, $0xb8;
	[tilespmem:$0x197C0] =	vst v63  }
0x63: {  	_ = 	snop  }
0x64: {  	[hbm4b:s13+s3] =	stream.linear.scatter [tilespmem:s29], [sflag:$0x4], $0x7800, $0x38;
	[tilespmem:$0x197C0] =	vst v63  }
0x65: {  	_ =	swait.ge [sflag:s0], $0x7800  }
0x66: {  	[sflag:s0] =	ssyncset.done $0x0  }
0x67: {  	[sflag:s0] =	ssyncadd.s32 $0xFFFF8800  }
0x68: {  	_ =	swait.ge [sflag:s4], $0x7800  }
0x69: {  	[sflag:s4] =	ssyncset.done $0x0  }
0x6a: {  	s7 =	simm.s32 $0x27B0;
	[sflag:s4] =	ssyncadd.s32 $0xFFFF8800  }
0x6b: {  	[tilespmem:s29], [sflag:$0x1] =	stream.indirect.gather [spmem:s2], $0x80, s7, s28, $0xb8;
	[tilespmem:$0x197C0] =	vst v63  }
0x6c: {  	_ = 	snop  }
0x6d: {  	[hbm4b:s14+s3] =	stream.linear.scatter [tilespmem:s31], [sflag:$0x5], $0x7800, $0x38;
	[tilespmem:$0x197C0] =	vst v63  }
0x6e: {  	_ =	swait.ge [sflag:s6], $0x7800  }
0x6f: {  	[sflag:s6] =	ssyncset.done $0x0  }
0x70: {  	[sflag:s6] =	ssyncadd.s32 $0xFFFF8800  }
0x71: {  	_ =	swait.ge [sflag:s30], $0x7800  }
0x72: {  	[sflag:s30] =	ssyncset.done $0x0  }
0x73: {  	s24 =	simm.s32 $0x28A0;
	[sflag:s30] =	ssyncadd.s32 $0xFFFF8800  }
0x74: {  	[tilespmem:s31], [sflag:$0x2] =	stream.indirect.gather [spmem:s2], $0x80, s24, s28, $0xb8;
	[tilespmem:$0x197C0] =	vst v63  }
0x75: {  	_ = 	snop  }
0x76: {  	[hbm4b:s15+s3] =	stream.linear.scatter [tilespmem:s26], [sflag:$0x6], $0x7800, $0x38;
	[tilespmem:$0x197C0] =	vst v63  }
0x77: {  	_ =	swait.ge [sflag:s1], $0x7800  }
0x78: {  	[sflag:s1] =	ssyncset.done $0x0  }
0x79: {  	[sflag:s1] =	ssyncadd.s32 $0xFFFF8800  }
0x7a: {  	_ =	swait.ge [sflag:s25], $0x7800  }
0x7b: {  	[sflag:s25] =	ssyncset.done $0x0  }
0x7c: {  	s7 =	simm.s32 $0x2990;
	[sflag:s25] =	ssyncadd.s32 $0xFFFF8800  }
0x7d: {  	[tilespmem:s26], [sflag:$0x3] =	stream.indirect.gather [spmem:s2], $0x80, s7, s28, $0xb8;
	[tilespmem:$0x197C0] =	vst v63  }
0x7e: {  	_ = 	snop  }
0x7f: {  	[hbm4b:s16+s3] =	stream.linear.scatter [tilespmem:s29], [sflag:$0x4], $0x7800, $0x38;
	[tilespmem:$0x197C0] =	vst v63  }
0x80: {  	_ =	swait.ge [sflag:s0], $0x7800  }
0x81: {  	[sflag:s0] =	ssyncset.done $0x0  }
0x82: {  	[sflag:s0] =	ssyncadd.s32 $0xFFFF8800  }
0x83: {  	_ =	swait.ge [sflag:s4], $0x7800  }
0x84: {  	[sflag:s4] =	ssyncset.done $0x0  }
0x85: {  	s24 =	simm.s32 $0x2A80;
	[sflag:s4] =	ssyncadd.s32 $0xFFFF8800  }
0x86: {  	[tilespmem:s29], [sflag:$0x1] =	stream.indirect.gather [spmem:s2], $0x80, s24, s28, $0xb8;
	[tilespmem:$0x197C0] =	vst v63  }
0x87: {  	_ = 	snop  }
0x88: {  	[hbm4b:s17+s3] =	stream.linear.scatter [tilespmem:s31], [sflag:$0x5], $0x7800, $0x38;
	[tilespmem:$0x197C0] =	vst v63  }
0x89: {  	_ =	swait.ge [sflag:s6], $0x7800  }
0x8a: {  	[sflag:s6] =	ssyncset.done $0x0  }
0x8b: {  	[sflag:s6] =	ssyncadd.s32 $0xFFFF8800  }
0x8c: {  	[hbm4b:s18+s3] =	stream.linear.scatter [tilespmem:s26], [sflag:$0x6], $0x7800, $0x38;
	[tilespmem:$0x197C0] =	vst v63  }
0x8d: {  	_ =	swait.ge [sflag:s1], $0x7800  }
0x8e: {  	[sflag:s1] =	ssyncset.done $0x0  }
0x8f: {  	s5 =	simm.s32 @p0 $0x4;
	[sflag:s1] =	ssyncadd.s32 $0xFFFF8800  }
0x90: {  	[hbm4b:s19+s3] =	stream.linear.scatter [tilespmem:s29], [sflag:$0x4], $0x7800, $0x38;
	[tilespmem:$0x197C0] =	vst v63  }
0x91: {  	_ =	swait.ge @p0 [sflag:s5], $0x7800  }
0x92: {  	[sflag:s5] =	ssyncset.done @p0 $0x0  }
0x93: {  	[sflag:s5] =	ssyncadd.s32 @p0 $0xFFFF8800;
	s5 =	simm.s32 @p0 $0x5  }
0x94: {  	_ =	swait.ge @p0 [sflag:s5], $0x7800  }
0x95: {  	[sflag:s5] =	ssyncset.done @p0 $0x0  }
0x96: {  	[sflag:s5] =	ssyncadd.s32 @p0 $0xFFFF8800;
	s5 =	simm.s32 @p0 $0x6  }
0x97: {  	_ =	swait.ge @p0 [sflag:s5], $0x7800  }
0x98: {  	[sflag:s5] =	ssyncset.done @p0 $0x0  }
0x99: {  	[sflag:s5] =	ssyncadd.s32 @p0 $0xFFFF8800;
	s5 =	simm.s32 @!p0 $0x7  }
0x9a: {  	_ =	swait.ge @!p0 [sflag:s5], $0x400  }
0x9b: {  	[sflag:s5] =	ssyncset.done @!p0 $0x0  }
0x9c: {  	s7 =	simm.s32 @!p0 $0x193C0;
	s24 =	simm.s32 @!p0 $0x0;
	[sflag:s5] =	ssyncadd.s32 @!p0 $0xFFFFFC00  }
0x9d: {  	[hbm4b:s20+s24] =	stream.linear.scatter @!p0 [tilespmem:s7], [sflag:$0x7], $0x400, $0x38;
	[tilespmem:$0x197C0] =	vst v63  }
0x9e: {  	s7 =	simm.s32 @!p0 $0x4  }
0x9f: {  	_ =	swait.ge @!p0 [sflag:s7], $0x7800  }
0xa0: {  	[sflag:s7] =	ssyncset.done @!p0 $0x0  }
0xa1: {  	[sflag:s7] =	ssyncadd.s32 @!p0 $0xFFFF8800;
	s7 =	simm.s32 @!p0 $0x5  }
0xa2: {  	_ =	swait.ge @!p0 [sflag:s7], $0x7800  }
0xa3: {  	[sflag:s7] =	ssyncset.done @!p0 $0x0  }
0xa4: {  	s21 =	sadd.s32 $0xFFFFFFFF, s21;
	[sflag:s7] =	ssyncadd.s32 @!p0 $0xFFFF8800;
	s7 =	simm.s32 @!p0 $0x6  }
0xa5: {  	p2 =	sne.s32 s21, $0x0;
	_ =	swait.ge @!p0 [sflag:s7], $0x7800  }
.Ltmp1:
0xa6: {  	[sflag:s7] =	ssyncset.done @!p0 $0x0;
	(pc) =	sbr.rel @!p2 .LBB2_4-.Ltmp1, $4  }
0xa7: {  	[sflag:s7] =	ssyncadd.s32 @!p0 $0xFFFF8800  }
0xa8: {  	_ =	swait.ge @!p0 [sflag:s5], $0x400  }
0xa9: {  	[sflag:s5] =	ssyncset.done @!p0 $0x0  }
0xaa: {  	[sflag:s5] =	ssyncadd.s32 @!p0 $0xFFFFFC00  }
.LBB2_1:
.Ltmp2:
0xab: {  	(pc) =	sbr.rel @!p0 .LBB2_2-.Ltmp2, $1  }
0xac: {  	_ =	sdelay $0x3  }
0xad: {  	s5 =	rddreg [dreg:$0x5]  }
0xae: {  	[tilespmem:s22], [sflag:$0x8] =	stream.linear.gather [hbm4b:s5+s3], $0xC30, $0x38;
	[tilespmem:$0x197C0] =	vst v63  }
.Ltmp3:
0xaf: {  	_ =	swait.ge [sflag:s23], $0xC30;
	(pc) =	sbr.rel .LBB2_3-.Ltmp3, $3  }
0xb0: {  	[sflag:s23] =	ssyncset.done $0x0  }
0xb1: {  	[sflag:s23] =	ssyncadd.s32 $0xFFFFF3D0  }
0xb2: {  	[bflag:$0x0] =	sbarrier.arrive $0xFFFF;
	_ =	sdelay $0x1  }
.LBB2_4:
0xb3: {  	_ =	sfence.sel $0x180000  }
0xb4: {  	[bflag:$0x0] =	sbarrier.arrive $0xFFFF  }
0xb5: {  	_ =	strace $0x90000047  }
0xb6: {  	s0 =	stileid.u32;
	[bflag:$0x2] =	sbarrier.arrive $0xFFFF  }
0xb7: {  	p0 =	sne.s32 s0, $0x0;
	s0 =	rddreg [dreg:$0x4]  }
0xb8: {  	s0 =	sadd.s32 @!p0 $0x100000, s0  }
0xb9: {  	[sflag:s0] =	ssyncadd.tile.s32 @!p0 $0x1;
	_ =	shalt  }
.Lfunc_end2:
_tile_overlayer_lowered:
.L_overlay_start_2:
0xba: {  	(tag) =	ssettag $0x2  }
0xbb: {  	s0 =	rddreg [dreg:$0x0];
	s2 =	stileid.u32  }
0xbc: {  	s1 =	rddreg [dreg:$0x1];
	p0 =	sne.s32 s2, $0x0  }
0xbd: {  	s3 =	rddreg [dreg:$0x2];
	[bflag:$0x3] =	sbarrier.arrive $0xFFFF;
	s2 =	simm.s32 @!p0 $0x1C08  }
0xbe: {  	[timem:s3], [sflag:s2] =	dma.local @!p0 [hbm:s0], s1  }
0xbf: {  	s0 =	simm.s32 @!p0 $0x8  }
0xc0: {  	_ =	swait.ge @!p0 [sflag:s0], s1  }
0xc1: {  	s1 =	ssub.s32 @!p0 $0x0, s1;
	[sflag:s0] =	ssyncset.done @!p0 $0x0  }
0xc2: {  	[sflag:s0] =	ssyncadd.s32 @!p0 s1  }
0xc3: {  	[bflag:$0x3] =	sbarrier.arrive $0xFFFF  }
0xc4: {  	_ =	shalt  }

</sc_bundles>
